<compile_context>
chip_gen: v7x
topology: tpu7x:2x2x1
jax: 0.10.2.dev20260603
libtpu: 0.0.44.dev20260713+nightly
codegen_flags: <defaults>
</compile_context>

<pallas_src>
import functools

import jax
import jax.numpy as jnp
from jax import lax
from jax.experimental import pallas as pl
from jax.experimental.pallas import tpu as pltpu
from jax.experimental.pallas import tpu_sc as plsc

_LANES = 16
_NUM_CORES = 2
_NUM_SUBCORES = 16


@functools.lru_cache(maxsize=None)
def _build_sc_pool(B, S, D):
    NW = _NUM_CORES * _NUM_SUBCORES
    BPW = B // NW
    K = D // _LANES
    chunks = []
    o = 0
    while o < S:
        n = min(128, S - o)
        chunks.append((o, n))
        o += n

    mesh = plsc.VectorSubcoreMesh(
        core_axis_name="c", subcore_axis_name="s",
        num_cores=_NUM_CORES, num_subcores=_NUM_SUBCORES)

    @functools.partial(
        pl.kernel,
        out_type=jax.ShapeDtypeStruct((B, D), jnp.float32),
        mesh=mesh,
        scratch_types=[
            pltpu.VMEM((BPW * S,), jnp.int32),
            pltpu.VMEM((S, D), jnp.float32),
            pltpu.VMEM((S, D), jnp.float32),
            pltpu.VMEM((BPW, D), jnp.float32),
            pltpu.SemaphoreType.DMA,
            pltpu.SemaphoreType.DMA,
        ],
        compiler_params=pltpu.CompilerParams(use_tc_tiling_on_sc=False),
    )
    def sc_pool(idx_hbm, table_hbm, out_hbm, idx_v, buf0, buf1, pooled_v,
                sem0, sem1):
        wid = lax.axis_index("s") * _NUM_CORES + lax.axis_index("c")
        pltpu.sync_copy(idx_hbm.at[wid], idx_v)
        bufs = (buf0, buf1)
        sems = (sem0, sem1)

        def issue(b, buf, sem):
            off = b * S
            for (o, n) in chunks:
                pltpu.async_copy(
                    table_hbm.at[idx_v.at[pl.ds(off + o, n)]],
                    buf.at[pl.ds(o, n)],
                    sem,
                )

        def wait(buf, sem):
            pltpu.make_async_copy(table_hbm.at[pl.ds(0, S)], buf, sem).wait()

        inv = jnp.float32(1.0 / S)

        def accumulate(buf, b):
            zero = jnp.zeros((_LANES,), jnp.float32)

            def rbody(r, accs):
                a = list(accs)
                base = r * 4
                for u in range(4):
                    for k2 in range(K):
                        j = (u % 2) * K + k2
                        a[j] = a[j] + buf[base + u, pl.ds(k2 * _LANES, _LANES)]
                return tuple(a)

            accs = lax.fori_loop(0, S // 4, rbody, (zero,) * (2 * K))
            for k2 in range(K):
                pooled_v[b, pl.ds(k2 * _LANES, _LANES)] = (
                    accs[k2] + accs[K + k2]) * inv

        issue(0, buf0, sem0)
        issue(1, buf1, sem1)

        def outer(g, carry):
            for t in range(2):
                b = g * 2 + t
                wait(bufs[t], sems[t])
                accumulate(bufs[t], b)

                @pl.when(b + 2 < BPW)
                def _():
                    issue(b + 2, bufs[t], sems[t])
            return carry

        lax.fori_loop(0, BPW // 2, outer, 0)
        pltpu.sync_copy(pooled_v, out_hbm.at[pl.ds(wid * BPW, BPW)])

    return sc_pool


def _tc_linear(pooled, fc_w, fc_b):
    B, D = pooled.shape
    O = fc_w.shape[1]
    BB = 512

    def body(x_ref, w_ref, b_ref, o_ref):
        o_ref[...] = (
            jnp.dot(x_ref[...], w_ref[...], preferred_element_type=jnp.float32)
            + b_ref[...]
        )

    return pl.pallas_call(
        body,
        out_shape=jax.ShapeDtypeStruct((B, O), jnp.float32),
        grid=(B // BB,),
        in_specs=[
            pl.BlockSpec((BB, D), lambda i: (i, 0)),
            pl.BlockSpec((D, O), lambda i: (0, 0)),
            pl.BlockSpec((1, O), lambda i: (0, 0)),
        ],
        out_specs=pl.BlockSpec((BB, O), lambda i: (i, 0)),
    )(pooled, fc_w, fc_b.reshape(1, O))


def kernel(input_ids, embedding, fc_w, fc_b):
    B, S = input_ids.shape
    _, D = embedding.shape
    NW = _NUM_CORES * _NUM_SUBCORES
    idx = input_ids.astype(jnp.int32).reshape(NW, (B // NW) * S)
    pooled = _build_sc_pool(B, S, D)(idx, embedding)
    return _tc_linear(pooled, fc_w, fc_b)

# --- scband reference (transcript-rebuilt; emitter-appended) ---
"""Pipeline reference for scband-text-encoder-833223655505 (READ-ONLY COPY).

The authoritative reference and input builder live on the scoring server;
editing this copy changes nothing except your own understanding.
"""

import jax, jax.numpy as jnp
import numpy as np

VOCAB = 1000000
EMBED_DIM = 64
BATCH = 4096
SEQ = 200
OUT_DIM = 512


def setup_inputs(seed: int = 0) -> dict:
    key = jax.random.key(seed)
    k1, k2, k3, k4 = jax.random.split(key, 4)
    input_ids = jax.random.randint(k1, (BATCH, SEQ), 0, VOCAB, dtype=jnp.int64 if jax.config.read('jax_enable_x64') else jnp.int32)
    embedding = jax.random.normal(k2, (VOCAB, EMBED_DIM), dtype=jnp.float32) * 0.02
    fc_w = jax.random.normal(k3, (EMBED_DIM, OUT_DIM), dtype=jnp.float32) * (1.0 / np.sqrt(EMBED_DIM))
    fc_b = jnp.zeros((OUT_DIM,), dtype=jnp.float32)
    return {"input_ids": input_ids, "embedding": embedding, "fc_w": fc_w, "fc_b": fc_b}


def reference(input_ids, embedding, fc_w, fc_b):
    # embedded = self.embedding(input_ids)
    embedded = jnp.take(embedding, input_ids, axis=0)  # [B, S, D]
    # pooled = embedded.mean(dim=1)
    pooled = embedded.mean(axis=1)  # [B, D]
    # return self.fc(pooled)
    return pooled @ fc_w + fc_b  # [B, 512]

if __name__ == "__main__":
    import jax
    _d = setup_inputs()
    print(jax.jit(kernel)(*tuple(_d.values())))

</pallas_src>

<mosaic_0001>
#map = affine_map<(d0, d1) -> (0, 0)>
module attributes {stable_mosaic.version = 14 : i64} {
  func.func @sc_pool(%arg0: i32, %arg1: i32, %arg2: memref<32x25600xi32, #tpu.memory_space<hbm>>, %arg3: memref<1000000x64xf32, #tpu.memory_space<hbm>>, %arg4: memref<4096x64xf32, #tpu.memory_space<hbm>>, %arg5: memref<25600xi32, #tpu.memory_space<vmem>>, %arg6: memref<200x64xf32, #tpu.memory_space<vmem>>, %arg7: memref<200x64xf32, #tpu.memory_space<vmem>>, %arg8: memref<128x64xf32, #tpu.memory_space<vmem>>, %arg9: memref<!tpu.dma_semaphore, #tpu.memory_space<semaphore_mem>>, %arg10: memref<!tpu.dma_semaphore, #tpu.memory_space<semaphore_mem>>) attributes {dimension_semantics = [#tpu.dimension_semantics<core_parallel>, #tpu.dimension_semantics<subcore_parallel>], iteration_bounds = array<i64: 2, 16>, scalar_prefetch = 0 : i64, scratch_operands = 6 : i64, tpu.core_type = #tpu.core_type<sc_vector_subcore>, window_params = [{transform_indices = #map}, {transform_indices = #map}, {transform_indices = #map}]} {
    %mul3A = arith.constant 2 : i32
    %mul3A_0 = arith.muli %arg1, %mul3A : i32
    %add3A = arith.addi %mul3A_0, %arg0 : i32
    "tpu.region"() ({
      %run_scoped3A = tpu.sem_alloc : memref<!tpu.dma_semaphore, #tpu.memory_space<semaphore_mem>>
      %dma_start3A_40 = arith.constant 0 : i32
      %dma_start3A_41 = tpu.memref_slice %arg2[%add3A, %dma_start3A_40] : memref<32x25600xi32, #tpu.memory_space<hbm>> -> memref<1x25600xi32, #tpu.memory_space<hbm>>
      %dma_start3A_42 = tpu.memref_squeeze %dma_start3A_41 : memref<1x25600xi32, #tpu.memory_space<hbm>> -> memref<25600xi32, #tpu.memory_space<hbm>>
      %dma_start3A_43 = arith.constant 0 : i32
      %dma_start3A_44 = tpu.memref_slice %arg2[%add3A, %dma_start3A_43] : memref<32x25600xi32, #tpu.memory_space<hbm>> -> memref<1x25600xi32, #tpu.memory_space<hbm>>
      %dma_start3A_45 = tpu.memref_squeeze %dma_start3A_44 : memref<1x25600xi32, #tpu.memory_space<hbm>> -> memref<25600xi32, #tpu.memory_space<hbm>>
      tpu.enqueue_dma source(%dma_start3A_45 : memref<25600xi32, #tpu.memory_space<hbm>>) target(%arg5 : memref<25600xi32, #tpu.memory_space<vmem>>) target_semaphore(%run_scoped3A : memref<!tpu.dma_semaphore, #tpu.memory_space<semaphore_mem>>)
      %dma_wait3A = arith.constant 0 : i32
      %dma_wait3A_46 = tpu.memref_slice %arg2[%add3A, %dma_wait3A] : memref<32x25600xi32, #tpu.memory_space<hbm>> -> memref<1x25600xi32, #tpu.memory_space<hbm>>
      %dma_wait3A_47 = tpu.memref_squeeze %dma_wait3A_46 : memref<1x25600xi32, #tpu.memory_space<hbm>> -> memref<25600xi32, #tpu.memory_space<hbm>>
      %dma_wait3A_48 = arith.constant 0 : i32
      %dma_wait3A_49 = tpu.memref_slice %arg2[%add3A, %dma_wait3A_48] : memref<32x25600xi32, #tpu.memory_space<hbm>> -> memref<1x25600xi32, #tpu.memory_space<hbm>>
      %dma_wait3A_50 = tpu.memref_squeeze %dma_wait3A_49 : memref<1x25600xi32, #tpu.memory_space<hbm>> -> memref<25600xi32, #tpu.memory_space<hbm>>
      tpu.wait_dma2 semaphore(%run_scoped3A : memref<!tpu.dma_semaphore, #tpu.memory_space<semaphore_mem>>) src(%dma_wait3A_50 : memref<25600xi32, #tpu.memory_space<hbm>>) dst(%arg5 : memref<25600xi32, #tpu.memory_space<vmem>>)
      tpu.yield
    }) : () -> ()
    %dma_start3A = arith.constant 0 : i32
    %dma_start3A_1 = arith.constant 0 : i32
    %dma_start3A_2 = tpu.memref_slice %arg6[%dma_start3A, %dma_start3A_1] : memref<200x64xf32, #tpu.memory_space<vmem>> -> memref<128x64xf32, #tpu.memory_space<vmem>>
    %dma_start3A_3 = arith.constant 0 : i32
    %dma_start3A_4 = tpu.memref_slice %arg5[%dma_start3A_3] : memref<25600xi32, #tpu.memory_space<vmem>> -> memref<128xi32, #tpu.memory_space<vmem>>
    %dma_start3A_5 = arith.constant 0 : i32
    %dma_start3A_6 = arith.constant 0 : i32
    %dma_start3A_7 = tpu.memref_slice %arg3[%dma_start3A_5, %dma_start3A_6] : memref<1000000x64xf32, #tpu.memory_space<hbm>> -> memref<1000000x64xf32, #tpu.memory_space<hbm>>
    tpu.enqueue_indirect_dma source(%dma_start3A_7 : memref<1000000x64xf32, #tpu.memory_space<hbm>>) target(%dma_start3A_2 : memref<128x64xf32, #tpu.memory_space<vmem>>) offsets(%dma_start3A_4 : memref<128xi32, #tpu.memory_space<vmem>>) semaphore(%arg9 : memref<!tpu.dma_semaphore, #tpu.memory_space<semaphore_mem>>)
    %dma_start3A_8 = arith.constant 128 : i32
    %dma_start3A_9 = arith.constant 0 : i32
    %dma_start3A_10 = tpu.memref_slice %arg6[%dma_start3A_8, %dma_start3A_9] : memref<200x64xf32, #tpu.memory_space<vmem>> -> memref<72x64xf32, #tpu.memory_space<vmem>>
    %dma_start3A_11 = arith.constant 128 : i32
    %dma_start3A_12 = tpu.memref_slice %arg5[%dma_start3A_11] : memref<25600xi32, #tpu.memory_space<vmem>> -> memref<72xi32, #tpu.memory_space<vmem>>
    %dma_start3A_13 = arith.constant 0 : i32
    %dma_start3A_14 = arith.constant 0 : i32
    %dma_start3A_15 = tpu.memref_slice %arg3[%dma_start3A_13, %dma_start3A_14] : memref<1000000x64xf32, #tpu.memory_space<hbm>> -> memref<1000000x64xf32, #tpu.memory_space<hbm>>
    tpu.enqueue_indirect_dma source(%dma_start3A_15 : memref<1000000x64xf32, #tpu.memory_space<hbm>>) target(%dma_start3A_10 : memref<72x64xf32, #tpu.memory_space<vmem>>) offsets(%dma_start3A_12 : memref<72xi32, #tpu.memory_space<vmem>>) semaphore(%arg9 : memref<!tpu.dma_semaphore, #tpu.memory_space<semaphore_mem>>)
    %dma_start3A_16 = arith.constant 0 : i32
    %dma_start3A_17 = arith.constant 0 : i32
    %dma_start3A_18 = tpu.memref_slice %arg7[%dma_start3A_16, %dma_start3A_17] : memref<200x64xf32, #tpu.memory_space<vmem>> -> memref<128x64xf32, #tpu.memory_space<vmem>>
    %dma_start3A_19 = arith.constant 200 : i32
    %dma_start3A_20 = tpu.memref_slice %arg5[%dma_start3A_19] : memref<25600xi32, #tpu.memory_space<vmem>> -> memref<128xi32, #tpu.memory_space<vmem>>
    %dma_start3A_21 = arith.constant 0 : i32
    %dma_start3A_22 = arith.constant 0 : i32
    %dma_start3A_23 = tpu.memref_slice %arg3[%dma_start3A_21, %dma_start3A_22] : memref<1000000x64xf32, #tpu.memory_space<hbm>> -> memref<1000000x64xf32, #tpu.memory_space<hbm>>
    tpu.enqueue_indirect_dma source(%dma_start3A_23 : memref<1000000x64xf32, #tpu.memory_space<hbm>>) target(%dma_start3A_18 : memref<128x64xf32, #tpu.memory_space<vmem>>) offsets(%dma_start3A_20 : memref<128xi32, #tpu.memory_space<vmem>>) semaphore(%arg10 : memref<!tpu.dma_semaphore, #tpu.memory_space<semaphore_mem>>)
    %dma_start3A_24 = arith.constant 128 : i32
    %dma_start3A_25 = arith.constant 0 : i32
    %dma_start3A_26 = tpu.memref_slice %arg7[%dma_start3A_24, %dma_start3A_25] : memref<200x64xf32, #tpu.memory_space<vmem>> -> memref<72x64xf32, #tpu.memory_space<vmem>>
    %dma_start3A_27 = arith.constant 328 : i32
    %dma_start3A_28 = tpu.memref_slice %arg5[%dma_start3A_27] : memref<25600xi32, #tpu.memory_space<vmem>> -> memref<72xi32, #tpu.memory_space<vmem>>
    %dma_start3A_29 = arith.constant 0 : i32
    %dma_start3A_30 = arith.constant 0 : i32
    %dma_start3A_31 = tpu.memref_slice %arg3[%dma_start3A_29, %dma_start3A_30] : memref<1000000x64xf32, #tpu.memory_space<hbm>> -> memref<1000000x64xf32, #tpu.memory_space<hbm>>
    tpu.enqueue_indirect_dma source(%dma_start3A_31 : memref<1000000x64xf32, #tpu.memory_space<hbm>>) target(%dma_start3A_26 : memref<72x64xf32, #tpu.memory_space<vmem>>) offsets(%dma_start3A_28 : memref<72xi32, #tpu.memory_space<vmem>>) semaphore(%arg10 : memref<!tpu.dma_semaphore, #tpu.memory_space<semaphore_mem>>)
    %scan3A = arith.constant 0 : i32
    %scan3A_32 = arith.constant 5.000000e-03 : f32
    %scan3A_33 = arith.constant 0 : i32
    %scan3A_34 = arith.constant 64 : i32
    %scan3A_35 = arith.addi %scan3A_33, %scan3A_34 : i32
    %scan3A_36 = arith.constant 1 : i32
    scf.for %scan3A_40 = %scan3A_33 to %scan3A_35 step %scan3A_36  : i32 {
      %mul3A_41 = arith.constant 2 : i32
      %mul3A_42 = arith.muli %scan3A_40, %mul3A_41 : i32
      %add3A_43 = arith.constant 0 : i32
      %add3A_44 = arith.addi %mul3A_42, %add3A_43 : i32
      %dma_wait3A = arith.constant 0 : i32
      %dma_wait3A_45 = arith.constant 0 : i32
      %dma_wait3A_46 = tpu.memref_slice %arg3[%dma_wait3A, %dma_wait3A_45] : memref<1000000x64xf32, #tpu.memory_space<hbm>> -> memref<200x64xf32, #tpu.memory_space<hbm>>
      %dma_wait3A_47 = arith.constant 0 : i32
      %dma_wait3A_48 = arith.constant 0 : i32
      %dma_wait3A_49 = tpu.memref_slice %arg3[%dma_wait3A_47, %dma_wait3A_48] : memref<1000000x64xf32, #tpu.memory_space<hbm>> -> memref<200x64xf32, #tpu.memory_space<hbm>>
      tpu.wait_dma2 semaphore(%arg9 : memref<!tpu.dma_semaphore, #tpu.memory_space<semaphore_mem>>) src(%dma_wait3A_49 : memref<200x64xf32, #tpu.memory_space<hbm>>) dst(%arg6 : memref<200x64xf32, #tpu.memory_space<vmem>>)
      %broadcast_in_dim3A = arith.constant 0.000000e+00 : f32
      %broadcast_in_dim3A_50 = vector.broadcast %broadcast_in_dim3A : f32 to vector<16xf32>
      %scan3A_51 = arith.constant 0 : i32
      %scan3A_52 = arith.constant 50 : i32
      %scan3A_53 = arith.addi %scan3A_51, %scan3A_52 : i32
      %scan3A_54 = arith.constant 1 : i32
      %scan3A_55:8 = scf.for %scan3A_149 = %scan3A_51 to %scan3A_53 step %scan3A_54 iter_args(%scan3A_150 = %broadcast_in_dim3A_50, %scan3A_151 = %broadcast_in_dim3A_50, %scan3A_152 = %broadcast_in_dim3A_50, %scan3A_153 = %broadcast_in_dim3A_50, %scan3A_154 = %broadcast_in_dim3A_50, %scan3A_155 = %broadcast_in_dim3A_50, %scan3A_156 = %broadcast_in_dim3A_50, %scan3A_157 = %broadcast_in_dim3A_50) -> (vector<16xf32>, vector<16xf32>, vector<16xf32>, vector<16xf32>, vector<16xf32>, vector<16xf32>, vector<16xf32>, vector<16xf32>)  : i32 {
        %mul3A_158 = arith.constant 4 : i32
        %mul3A_159 = arith.muli %scan3A_149, %mul3A_158 : i32
        %add3A_160 = arith.constant 0 : i32
        %add3A_161 = arith.addi %mul3A_159, %add3A_160 : i32
        %get3A = arith.index_cast %add3A_161 : i32 to index
        %get3A_162 = arith.constant 0 : index
        %get3A_163 = tpu.vector_load %arg6[%get3A, %get3A_162] {strides = array<i32>} : memref<200x64xf32, #tpu.memory_space<vmem>>, vector<1x16xf32>,
        %get3A_164 = vector.shape_cast %get3A_163 : vector<1x16xf32> to vector<16xf32>
        %add3A_165 = arith.addf %scan3A_150, %get3A_164 : vector<16xf32>
        %add3A_166 = arith.constant 0 : i32
        %add3A_167 = arith.addi %mul3A_159, %add3A_166 : i32
        %get3A_168 = arith.index_cast %add3A_167 : i32 to index
        %get3A_169 = arith.constant 16 : index
        %get3A_170 = tpu.vector_load %arg6[%get3A_168, %get3A_169] {strides = array<i32>} : memref<200x64xf32, #tpu.memory_space<vmem>>, vector<1x16xf32>,
        %get3A_171 = vector.shape_cast %get3A_170 : vector<1x16xf32> to vector<16xf32>
        %add3A_172 = arith.addf %scan3A_151, %get3A_171 : vector<16xf32>
        %add3A_173 = arith.constant 0 : i32
        %add3A_174 = arith.addi %mul3A_159, %add3A_173 : i32
        %get3A_175 = arith.index_cast %add3A_174 : i32 to index
        %get3A_176 = arith.constant 32 : index
        %get3A_177 = tpu.vector_load %arg6[%get3A_175, %get3A_176] {strides = array<i32>} : memref<200x64xf32, #tpu.memory_space<vmem>>, vector<1x16xf32>,
        %get3A_178 = vector.shape_cast %get3A_177 : vector<1x16xf32> to vector<16xf32>
        %add3A_179 = arith.addf %scan3A_152, %get3A_178 : vector<16xf32>
        %add3A_180 = arith.constant 0 : i32
        %add3A_181 = arith.addi %mul3A_159, %add3A_180 : i32
        %get3A_182 = arith.index_cast %add3A_181 : i32 to index
        %get3A_183 = arith.constant 48 : index
        %get3A_184 = tpu.vector_load %arg6[%get3A_182, %get3A_183] {strides = array<i32>} : memref<200x64xf32, #tpu.memory_space<vmem>>, vector<1x16xf32>,
        %get3A_185 = vector.shape_cast %get3A_184 : vector<1x16xf32> to vector<16xf32>
        %add3A_186 = arith.addf %scan3A_153, %get3A_185 : vector<16xf32>
        %add3A_187 = arith.constant 1 : i32
        %add3A_188 = arith.addi %mul3A_159, %add3A_187 : i32
        %get3A_189 = arith.index_cast %add3A_188 : i32 to index
        %get3A_190 = arith.constant 0 : index
        %get3A_191 = tpu.vector_load %arg6[%get3A_189, %get3A_190] {strides = array<i32>} : memref<200x64xf32, #tpu.memory_space<vmem>>, vector<1x16xf32>,
        %get3A_192 = vector.shape_cast %get3A_191 : vector<1x16xf32> to vector<16xf32>
        %add3A_193 = arith.addf %scan3A_154, %get3A_192 : vector<16xf32>
        %add3A_194 = arith.constant 1 : i32
        %add3A_195 = arith.addi %mul3A_159, %add3A_194 : i32
        %get3A_196 = arith.index_cast %add3A_195 : i32 to index
        %get3A_197 = arith.constant 16 : index
        %get3A_198 = tpu.vector_load %arg6[%get3A_196, %get3A_197] {strides = array<i32>} : memref<200x64xf32, #tpu.memory_space<vmem>>, vector<1x16xf32>,
        %get3A_199 = vector.shape_cast %get3A_198 : vector<1x16xf32> to vector<16xf32>
        %add3A_200 = arith.addf %scan3A_155, %get3A_199 : vector<16xf32>
        %add3A_201 = arith.constant 1 : i32
        %add3A_202 = arith.addi %mul3A_159, %add3A_201 : i32
        %get3A_203 = arith.index_cast %add3A_202 : i32 to index
        %get3A_204 = arith.constant 32 : index
        %get3A_205 = tpu.vector_load %arg6[%get3A_203, %get3A_204] {strides = array<i32>} : memref<200x64xf32, #tpu.memory_space<vmem>>, vector<1x16xf32>,
        %get3A_206 = vector.shape_cast %get3A_205 : vector<1x16xf32> to vector<16xf32>
        %add3A_207 = arith.addf %scan3A_156, %get3A_206 : vector<16xf32>
        %add3A_208 = arith.constant 1 : i32
        %add3A_209 = arith.addi %mul3A_159, %add3A_208 : i32
        %get3A_210 = arith.index_cast %add3A_209 : i32 to index
        %get3A_211 = arith.constant 48 : index
        %get3A_212 = tpu.vector_load %arg6[%get3A_210, %get3A_211] {strides = array<i32>} : memref<200x64xf32, #tpu.memory_space<vmem>>, vector<1x16xf32>,
        %get3A_213 = vector.shape_cast %get3A_212 : vector<1x16xf32> to vector<16xf32>
        %add3A_214 = arith.addf %scan3A_157, %get3A_213 : vector<16xf32>
        %add3A_215 = arith.constant 2 : i32
        %add3A_216 = arith.addi %mul3A_159, %add3A_215 : i32
        %get3A_217 = arith.index_cast %add3A_216 : i32 to index
        %get3A_218 = arith.constant 0 : index
        %get3A_219 = tpu.vector_load %arg6[%get3A_217, %get3A_218] {strides = array<i32>} : memref<200x64xf32, #tpu.memory_space<vmem>>, vector<1x16xf32>,
        %get3A_220 = vector.shape_cast %get3A_219 : vector<1x16xf32> to vector<16xf32>
        %add3A_221 = arith.addf %add3A_165, %get3A_220 : vector<16xf32>
        %add3A_222 = arith.constant 2 : i32
        %add3A_223 = arith.addi %mul3A_159, %add3A_222 : i32
        %get3A_224 = arith.index_cast %add3A_223 : i32 to index
        %get3A_225 = arith.constant 16 : index
        %get3A_226 = tpu.vector_load %arg6[%get3A_224, %get3A_225] {strides = array<i32>} : memref<200x64xf32, #tpu.memory_space<vmem>>, vector<1x16xf32>,
        %get3A_227 = vector.shape_cast %get3A_226 : vector<1x16xf32> to vector<16xf32>
        %add3A_228 = arith.addf %add3A_172, %get3A_227 : vector<16xf32>
        %add3A_229 = arith.constant 2 : i32
        %add3A_230 = arith.addi %mul3A_159, %add3A_229 : i32
        %get3A_231 = arith.index_cast %add3A_230 : i32 to index
        %get3A_232 = arith.constant 32 : index
        %get3A_233 = tpu.vector_load %arg6[%get3A_231, %get3A_232] {strides = array<i32>} : memref<200x64xf32, #tpu.memory_space<vmem>>, vector<1x16xf32>,
        %get3A_234 = vector.shape_cast %get3A_233 : vector<1x16xf32> to vector<16xf32>
        %add3A_235 = arith.addf %add3A_179, %get3A_234 : vector<16xf32>
        %add3A_236 = arith.constant 2 : i32
        %add3A_237 = arith.addi %mul3A_159, %add3A_236 : i32
        %get3A_238 = arith.index_cast %add3A_237 : i32 to index
        %get3A_239 = arith.constant 48 : index
        %get3A_240 = tpu.vector_load %arg6[%get3A_238, %get3A_239] {strides = array<i32>} : memref<200x64xf32, #tpu.memory_space<vmem>>, vector<1x16xf32>,
        %get3A_241 = vector.shape_cast %get3A_240 : vector<1x16xf32> to vector<16xf32>
        %add3A_242 = arith.addf %add3A_186, %get3A_241 : vector<16xf32>
        %add3A_243 = arith.constant 3 : i32
        %add3A_244 = arith.addi %mul3A_159, %add3A_243 : i32
        %get3A_245 = arith.index_cast %add3A_244 : i32 to index
        %get3A_246 = arith.constant 0 : index
        %get3A_247 = tpu.vector_load %arg6[%get3A_245, %get3A_246] {strides = array<i32>} : memref<200x64xf32, #tpu.memory_space<vmem>>, vector<1x16xf32>,
        %get3A_248 = vector.shape_cast %get3A_247 : vector<1x16xf32> to vector<16xf32>
        %add3A_249 = arith.addf %add3A_193, %get3A_248 : vector<16xf32>
        %add3A_250 = arith.constant 3 : i32
        %add3A_251 = arith.addi %mul3A_159, %add3A_250 : i32
        %get3A_252 = arith.index_cast %add3A_251 : i32 to index
        %get3A_253 = arith.constant 16 : index
        %get3A_254 = tpu.vector_load %arg6[%get3A_252, %get3A_253] {strides = array<i32>} : memref<200x64xf32, #tpu.memory_space<vmem>>, vector<1x16xf32>,
        %get3A_255 = vector.shape_cast %get3A_254 : vector<1x16xf32> to vector<16xf32>
        %add3A_256 = arith.addf %add3A_200, %get3A_255 : vector<16xf32>
        %add3A_257 = arith.constant 3 : i32
        %add3A_258 = arith.addi %mul3A_159, %add3A_257 : i32
        %get3A_259 = arith.index_cast %add3A_258 : i32 to index
        %get3A_260 = arith.constant 32 : index
        %get3A_261 = tpu.vector_load %arg6[%get3A_259, %get3A_260] {strides = array<i32>} : memref<200x64xf32, #tpu.memory_space<vmem>>, vector<1x16xf32>,
        %get3A_262 = vector.shape_cast %get3A_261 : vector<1x16xf32> to vector<16xf32>
        %add3A_263 = arith.addf %add3A_207, %get3A_262 : vector<16xf32>
        %add3A_264 = arith.constant 3 : i32
        %add3A_265 = arith.addi %mul3A_159, %add3A_264 : i32
        %get3A_266 = arith.index_cast %add3A_265 : i32 to index
        %get3A_267 = arith.constant 48 : index
        %get3A_268 = tpu.vector_load %arg6[%get3A_266, %get3A_267] {strides = array<i32>} : memref<200x64xf32, #tpu.memory_space<vmem>>, vector<1x16xf32>,
        %get3A_269 = vector.shape_cast %get3A_268 : vector<1x16xf32> to vector<16xf32>
        %add3A_270 = arith.addf %add3A_214, %get3A_269 : vector<16xf32>
        scf.yield %add3A_221, %add3A_228, %add3A_235, %add3A_242, %add3A_249, %add3A_256, %add3A_263, %add3A_270 : vector<16xf32>, vector<16xf32>, vector<16xf32>, vector<16xf32>, vector<16xf32>, vector<16xf32>, vector<16xf32>, vector<16xf32>
      }
      %scan3A_56 = arith.constant 50 : i32
      %add3A_57 = arith.addf %scan3A_55#0, %scan3A_55#4 : vector<16xf32>
      %mul3A_58 = vector.broadcast %scan3A_32 : f32 to vector<16xf32>
      %mul3A_59 = arith.mulf %add3A_57, %mul3A_58 : vector<16xf32>
      %swap3A = arith.index_cast %add3A_44 : i32 to index
      %swap3A_60 = arith.constant 0 : index
      %swap3A_61 = tpu.vector_load %arg8[%swap3A, %swap3A_60] {strides = array<i32>} : memref<128x64xf32, #tpu.memory_space<vmem>>, vector<1x16xf32>,
      %swap3A_62 = vector.shape_cast %swap3A_61 : vector<1x16xf32> to vector<16xf32>
      %swap3A_63 = vector.shape_cast %mul3A_59 : vector<16xf32> to vector<1x16xf32>
      tpu.vector_store %arg8[%swap3A, %swap3A_60], %swap3A_63 {strides = array<i32>} : memref<128x64xf32, #tpu.memory_space<vmem>>, vector<1x16xf32>,
      %add3A_64 = arith.addf %scan3A_55#1, %scan3A_55#5 : vector<16xf32>
      %mul3A_65 = vector.broadcast %scan3A_32 : f32 to vector<16xf32>
      %mul3A_66 = arith.mulf %add3A_64, %mul3A_65 : vector<16xf32>
      %swap3A_67 = arith.index_cast %add3A_44 : i32 to index
      %swap3A_68 = arith.constant 16 : index
      %swap3A_69 = tpu.vector_load %arg8[%swap3A_67, %swap3A_68] {strides = array<i32>} : memref<128x64xf32, #tpu.memory_space<vmem>>, vector<1x16xf32>,
      %swap3A_70 = vector.shape_cast %swap3A_69 : vector<1x16xf32> to vector<16xf32>
      %swap3A_71 = vector.shape_cast %mul3A_66 : vector<16xf32> to vector<1x16xf32>
      tpu.vector_store %arg8[%swap3A_67, %swap3A_68], %swap3A_71 {strides = array<i32>} : memref<128x64xf32, #tpu.memory_space<vmem>>, vector<1x16xf32>,
      %add3A_72 = arith.addf %scan3A_55#2, %scan3A_55#6 : vector<16xf32>
      %mul3A_73 = vector.broadcast %scan3A_32 : f32 to vector<16xf32>
      %mul3A_74 = arith.mulf %add3A_72, %mul3A_73 : vector<16xf32>
      %swap3A_75 = arith.index_cast %add3A_44 : i32 to index
      %swap3A_76 = arith.constant 32 : index
      %swap3A_77 = tpu.vector_load %arg8[%swap3A_75, %swap3A_76] {strides = array<i32>} : memref<128x64xf32, #tpu.memory_space<vmem>>, vector<1x16xf32>,
      %swap3A_78 = vector.shape_cast %swap3A_77 : vector<1x16xf32> to vector<16xf32>
      %swap3A_79 = vector.shape_cast %mul3A_74 : vector<16xf32> to vector<1x16xf32>
      tpu.vector_store %arg8[%swap3A_75, %swap3A_76], %swap3A_79 {strides = array<i32>} : memref<128x64xf32, #tpu.memory_space<vmem>>, vector<1x16xf32>,
      %add3A_80 = arith.addf %scan3A_55#3, %scan3A_55#7 : vector<16xf32>
      %mul3A_81 = vector.broadcast %scan3A_32 : f32 to vector<16xf32>
      %mul3A_82 = arith.mulf %add3A_80, %mul3A_81 : vector<16xf32>
      %swap3A_83 = arith.index_cast %add3A_44 : i32 to index
      %swap3A_84 = arith.constant 48 : index
      %swap3A_85 = tpu.vector_load %arg8[%swap3A_83, %swap3A_84] {strides = array<i32>} : memref<128x64xf32, #tpu.memory_space<vmem>>, vector<1x16xf32>,
      %swap3A_86 = vector.shape_cast %swap3A_85 : vector<1x16xf32> to vector<16xf32>
      %swap3A_87 = vector.shape_cast %mul3A_82 : vector<16xf32> to vector<1x16xf32>
      tpu.vector_store %arg8[%swap3A_83, %swap3A_84], %swap3A_87 {strides = array<i32>} : memref<128x64xf32, #tpu.memory_space<vmem>>, vector<1x16xf32>,
      %add3A_88 = arith.constant 2 : i32
      %add3A_89 = arith.addi %add3A_44, %add3A_88 : i32
      %lt3A = arith.constant 128 : i32
      %lt3A_90 = arith.cmpi slt, %add3A_89, %lt3A : i32
      %convert_element_type3A = arith.extui %lt3A_90 : i1 to i32
      %cond3A = arith.constant 0 : i32
      %cond3A_91 = arith.cmpi ne, %convert_element_type3A, %cond3A : i32
      scf.if %cond3A_91 {
        %add3A_149 = arith.constant 2 : i32
        %add3A_150 = arith.addi %add3A_44, %add3A_149 : i32
        %mul3A_151 = arith.constant 200 : i32
        %mul3A_152 = arith.muli %add3A_150, %mul3A_151 : i32
        %add3A_153 = arith.constant 0 : i32
        %add3A_154 = arith.addi %mul3A_152, %add3A_153 : i32
        %dma_start3A_155 = arith.constant 0 : i32
        %dma_start3A_156 = arith.constant 0 : i32
        %dma_start3A_157 = tpu.memref_slice %arg6[%dma_start3A_155, %dma_start3A_156] : memref<200x64xf32, #tpu.memory_space<vmem>> -> memref<128x64xf32, #tpu.memory_space<vmem>>
        %dma_start3A_158 = tpu.memref_slice %arg5[%add3A_154] : memref<25600xi32, #tpu.memory_space<vmem>> -> memref<128xi32, #tpu.memory_space<vmem>>
        %dma_start3A_159 = arith.constant 0 : i32
        %dma_start3A_160 = arith.constant 0 : i32
        %dma_start3A_161 = tpu.memref_slice %arg3[%dma_start3A_159, %dma_start3A_160] : memref<1000000x64xf32, #tpu.memory_space<hbm>> -> memref<1000000x64xf32, #tpu.memory_space<hbm>>
        tpu.enqueue_indirect_dma source(%dma_start3A_161 : memref<1000000x64xf32, #tpu.memory_space<hbm>>) target(%dma_start3A_157 : memref<128x64xf32, #tpu.memory_space<vmem>>) offsets(%dma_start3A_158 : memref<128xi32, #tpu.memory_space<vmem>>) semaphore(%arg9 : memref<!tpu.dma_semaphore, #tpu.memory_space<semaphore_mem>>)
        %add3A_162 = arith.constant 128 : i32
        %add3A_163 = arith.addi %mul3A_152, %add3A_162 : i32
        %dma_start3A_164 = arith.constant 128 : i32
        %dma_start3A_165 = arith.constant 0 : i32
        %dma_start3A_166 = tpu.memref_slice %arg6[%dma_start3A_164, %dma_start3A_165] : memref<200x64xf32, #tpu.memory_space<vmem>> -> memref<72x64xf32, #tpu.memory_space<vmem>>
        %dma_start3A_167 = tpu.memref_slice %arg5[%add3A_163] : memref<25600xi32, #tpu.memory_space<vmem>> -> memref<72xi32, #tpu.memory_space<vmem>>
        %dma_start3A_168 = arith.constant 0 : i32
        %dma_start3A_169 = arith.constant 0 : i32
        %dma_start3A_170 = tpu.memref_slice %arg3[%dma_start3A_168, %dma_start3A_169] : memref<1000000x64xf32, #tpu.memory_space<hbm>> -> memref<1000000x64xf32, #tpu.memory_space<hbm>>
        tpu.enqueue_indirect_dma source(%dma_start3A_170 : memref<1000000x64xf32, #tpu.memory_space<hbm>>) target(%dma_start3A_166 : memref<72x64xf32, #tpu.memory_space<vmem>>) offsets(%dma_start3A_167 : memref<72xi32, #tpu.memory_space<vmem>>) semaphore(%arg9 : memref<!tpu.dma_semaphore, #tpu.memory_space<semaphore_mem>>)
      } else {
      }
      %mul3A_92 = arith.constant 2 : i32
      %mul3A_93 = arith.muli %scan3A_40, %mul3A_92 : i32
      %add3A_94 = arith.constant 1 : i32
      %add3A_95 = arith.addi %mul3A_93, %add3A_94 : i32
      %dma_wait3A_96 = arith.constant 0 : i32
      %dma_wait3A_97 = arith.constant 0 : i32
      %dma_wait3A_98 = tpu.memref_slice %arg3[%dma_wait3A_96, %dma_wait3A_97] : memref<1000000x64xf32, #tpu.memory_space<hbm>> -> memref<200x64xf32, #tpu.memory_space<hbm>>
      %dma_wait3A_99 = arith.constant 0 : i32
      %dma_wait3A_100 = arith.constant 0 : i32
      %dma_wait3A_101 = tpu.memref_slice %arg3[%dma_wait3A_99, %dma_wait3A_100] : memref<1000000x64xf32, #tpu.memory_space<hbm>> -> memref<200x64xf32, #tpu.memory_space<hbm>>
      tpu.wait_dma2 semaphore(%arg10 : memref<!tpu.dma_semaphore, #tpu.memory_space<semaphore_mem>>) src(%dma_wait3A_101 : memref<200x64xf32, #tpu.memory_space<hbm>>) dst(%arg7 : memref<200x64xf32, #tpu.memory_space<vmem>>)
      %broadcast_in_dim3A_102 = arith.constant 0.000000e+00 : f32
      %broadcast_in_dim3A_103 = vector.broadcast %broadcast_in_dim3A_102 : f32 to vector<16xf32>
      %scan3A_104 = arith.constant 0 : i32
      %scan3A_105 = arith.constant 50 : i32
      %scan3A_106 = arith.addi %scan3A_104, %scan3A_105 : i32
      %scan3A_107 = arith.constant 1 : i32
      %scan3A_108:8 = scf.for %scan3A_149 = %scan3A_104 to %scan3A_106 step %scan3A_107 iter_args(%scan3A_150 = %broadcast_in_dim3A_103, %scan3A_151 = %broadcast_in_dim3A_103, %scan3A_152 = %broadcast_in_dim3A_103, %scan3A_153 = %broadcast_in_dim3A_103, %scan3A_154 = %broadcast_in_dim3A_103, %scan3A_155 = %broadcast_in_dim3A_103, %scan3A_156 = %broadcast_in_dim3A_103, %scan3A_157 = %broadcast_in_dim3A_103) -> (vector<16xf32>, vector<16xf32>, vector<16xf32>, vector<16xf32>, vector<16xf32>, vector<16xf32>, vector<16xf32>, vector<16xf32>)  : i32 {
        %mul3A_158 = arith.constant 4 : i32
        %mul3A_159 = arith.muli %scan3A_149, %mul3A_158 : i32
        %add3A_160 = arith.constant 0 : i32
        %add3A_161 = arith.addi %mul3A_159, %add3A_160 : i32
        %get3A = arith.index_cast %add3A_161 : i32 to index
        %get3A_162 = arith.constant 0 : index
        %get3A_163 = tpu.vector_load %arg7[%get3A, %get3A_162] {strides = array<i32>} : memref<200x64xf32, #tpu.memory_space<vmem>>, vector<1x16xf32>,
        %get3A_164 = vector.shape_cast %get3A_163 : vector<1x16xf32> to vector<16xf32>
        %add3A_165 = arith.addf %scan3A_150, %get3A_164 : vector<16xf32>
        %add3A_166 = arith.constant 0 : i32
        %add3A_167 = arith.addi %mul3A_159, %add3A_166 : i32
        %get3A_168 = arith.index_cast %add3A_167 : i32 to index
        %get3A_169 = arith.constant 16 : index
        %get3A_170 = tpu.vector_load %arg7[%get3A_168, %get3A_169] {strides = array<i32>} : memref<200x64xf32, #tpu.memory_space<vmem>>, vector<1x16xf32>,
        %get3A_171 = vector.shape_cast %get3A_170 : vector<1x16xf32> to vector<16xf32>
        %add3A_172 = arith.addf %scan3A_151, %get3A_171 : vector<16xf32>
        %add3A_173 = arith.constant 0 : i32
        %add3A_174 = arith.addi %mul3A_159, %add3A_173 : i32
        %get3A_175 = arith.index_cast %add3A_174 : i32 to index
        %get3A_176 = arith.constant 32 : index
        %get3A_177 = tpu.vector_load %arg7[%get3A_175, %get3A_176] {strides = array<i32>} : memref<200x64xf32, #tpu.memory_space<vmem>>, vector<1x16xf32>,
        %get3A_178 = vector.shape_cast %get3A_177 : vector<1x16xf32> to vector<16xf32>
        %add3A_179 = arith.addf %scan3A_152, %get3A_178 : vector<16xf32>
        %add3A_180 = arith.constant 0 : i32
        %add3A_181 = arith.addi %mul3A_159, %add3A_180 : i32
        %get3A_182 = arith.index_cast %add3A_181 : i32 to index
        %get3A_183 = arith.constant 48 : index
        %get3A_184 = tpu.vector_load %arg7[%get3A_182, %get3A_183] {strides = array<i32>} : memref<200x64xf32, #tpu.memory_space<vmem>>, vector<1x16xf32>,
        %get3A_185 = vector.shape_cast %get3A_184 : vector<1x16xf32> to vector<16xf32>
        %add3A_186 = arith.addf %scan3A_153, %get3A_185 : vector<16xf32>
        %add3A_187 = arith.constant 1 : i32
        %add3A_188 = arith.addi %mul3A_159, %add3A_187 : i32
        %get3A_189 = arith.index_cast %add3A_188 : i32 to index
        %get3A_190 = arith.constant 0 : index
        %get3A_191 = tpu.vector_load %arg7[%get3A_189, %get3A_190] {strides = array<i32>} : memref<200x64xf32, #tpu.memory_space<vmem>>, vector<1x16xf32>,
        %get3A_192 = vector.shape_cast %get3A_191 : vector<1x16xf32> to vector<16xf32>
        %add3A_193 = arith.addf %scan3A_154, %get3A_192 : vector<16xf32>
        %add3A_194 = arith.constant 1 : i32
        %add3A_195 = arith.addi %mul3A_159, %add3A_194 : i32
        %get3A_196 = arith.index_cast %add3A_195 : i32 to index
        %get3A_197 = arith.constant 16 : index
        %get3A_198 = tpu.vector_load %arg7[%get3A_196, %get3A_197] {strides = array<i32>} : memref<200x64xf32, #tpu.memory_space<vmem>>, vector<1x16xf32>,
        %get3A_199 = vector.shape_cast %get3A_198 : vector<1x16xf32> to vector<16xf32>
        %add3A_200 = arith.addf %scan3A_155, %get3A_199 : vector<16xf32>
        %add3A_201 = arith.constant 1 : i32
        %add3A_202 = arith.addi %mul3A_159, %add3A_201 : i32
        %get3A_203 = arith.index_cast %add3A_202 : i32 to index
        %get3A_204 = arith.constant 32 : index
        %get3A_205 = tpu.vector_load %arg7[%get3A_203, %get3A_204] {strides = array<i32>} : memref<200x64xf32, #tpu.memory_space<vmem>>, vector<1x16xf32>,
        %get3A_206 = vector.shape_cast %get3A_205 : vector<1x16xf32> to vector<16xf32>
        %add3A_207 = arith.addf %scan3A_156, %get3A_206 : vector<16xf32>
        %add3A_208 = arith.constant 1 : i32
        %add3A_209 = arith.addi %mul3A_159, %add3A_208 : i32
        %get3A_210 = arith.index_cast %add3A_209 : i32 to index
        %get3A_211 = arith.constant 48 : index
        %get3A_212 = tpu.vector_load %arg7[%get3A_210, %get3A_211] {strides = array<i32>} : memref<200x64xf32, #tpu.memory_space<vmem>>, vector<1x16xf32>,
        %get3A_213 = vector.shape_cast %get3A_212 : vector<1x16xf32> to vector<16xf32>
        %add3A_214 = arith.addf %scan3A_157, %get3A_213 : vector<16xf32>
        %add3A_215 = arith.constant 2 : i32
        %add3A_216 = arith.addi %mul3A_159, %add3A_215 : i32
        %get3A_217 = arith.index_cast %add3A_216 : i32 to index
        %get3A_218 = arith.constant 0 : index
        %get3A_219 = tpu.vector_load %arg7[%get3A_217, %get3A_218] {strides = array<i32>} : memref<200x64xf32, #tpu.memory_space<vmem>>, vector<1x16xf32>,
        %get3A_220 = vector.shape_cast %get3A_219 : vector<1x16xf32> to vector<16xf32>
        %add3A_221 = arith.addf %add3A_165, %get3A_220 : vector<16xf32>
        %add3A_222 = arith.constant 2 : i32
        %add3A_223 = arith.addi %mul3A_159, %add3A_222 : i32
        %get3A_224 = arith.index_cast %add3A_223 : i32 to index
        %get3A_225 = arith.constant 16 : index
        %get3A_226 = tpu.vector_load %arg7[%get3A_224, %get3A_225] {strides = array<i32>} : memref<200x64xf32, #tpu.memory_space<vmem>>, vector<1x16xf32>,
        %get3A_227 = vector.shape_cast %get3A_226 : vector<1x16xf32> to vector<16xf32>
        %add3A_228 = arith.addf %add3A_172, %get3A_227 : vector<16xf32>
        %add3A_229 = arith.constant 2 : i32
        %add3A_230 = arith.addi %mul3A_159, %add3A_229 : i32
        %get3A_231 = arith.index_cast %add3A_230 : i32 to index
        %get3A_232 = arith.constant 32 : index
        %get3A_233 = tpu.vector_load %arg7[%get3A_231, %get3A_232] {strides = array<i32>} : memref<200x64xf32, #tpu.memory_space<vmem>>, vector<1x16xf32>,
        %get3A_234 = vector.shape_cast %get3A_233 : vector<1x16xf32> to vector<16xf32>
        %add3A_235 = arith.addf %add3A_179, %get3A_234 : vector<16xf32>
        %add3A_236 = arith.constant 2 : i32
        %add3A_237 = arith.addi %mul3A_159, %add3A_236 : i32
        %get3A_238 = arith.index_cast %add3A_237 : i32 to index
        %get3A_239 = arith.constant 48 : index
        %get3A_240 = tpu.vector_load %arg7[%get3A_238, %get3A_239] {strides = array<i32>} : memref<200x64xf32, #tpu.memory_space<vmem>>, vector<1x16xf32>,
        %get3A_241 = vector.shape_cast %get3A_240 : vector<1x16xf32> to vector<16xf32>
        %add3A_242 = arith.addf %add3A_186, %get3A_241 : vector<16xf32>
        %add3A_243 = arith.constant 3 : i32
        %add3A_244 = arith.addi %mul3A_159, %add3A_243 : i32
        %get3A_245 = arith.index_cast %add3A_244 : i32 to index
        %get3A_246 = arith.constant 0 : index
        %get3A_247 = tpu.vector_load %arg7[%get3A_245, %get3A_246] {strides = array<i32>} : memref<200x64xf32, #tpu.memory_space<vmem>>, vector<1x16xf32>,
        %get3A_248 = vector.shape_cast %get3A_247 : vector<1x16xf32> to vector<16xf32>
        %add3A_249 = arith.addf %add3A_193, %get3A_248 : vector<16xf32>
        %add3A_250 = arith.constant 3 : i32
        %add3A_251 = arith.addi %mul3A_159, %add3A_250 : i32
        %get3A_252 = arith.index_cast %add3A_251 : i32 to index
        %get3A_253 = arith.constant 16 : index
        %get3A_254 = tpu.vector_load %arg7[%get3A_252, %get3A_253] {strides = array<i32>} : memref<200x64xf32, #tpu.memory_space<vmem>>, vector<1x16xf32>,
        %get3A_255 = vector.shape_cast %get3A_254 : vector<1x16xf32> to vector<16xf32>
        %add3A_256 = arith.addf %add3A_200, %get3A_255 : vector<16xf32>
        %add3A_257 = arith.constant 3 : i32
        %add3A_258 = arith.addi %mul3A_159, %add3A_257 : i32
        %get3A_259 = arith.index_cast %add3A_258 : i32 to index
        %get3A_260 = arith.constant 32 : index
        %get3A_261 = tpu.vector_load %arg7[%get3A_259, %get3A_260] {strides = array<i32>} : memref<200x64xf32, #tpu.memory_space<vmem>>, vector<1x16xf32>,
        %get3A_262 = vector.shape_cast %get3A_261 : vector<1x16xf32> to vector<16xf32>
        %add3A_263 = arith.addf %add3A_207, %get3A_262 : vector<16xf32>
        %add3A_264 = arith.constant 3 : i32
        %add3A_265 = arith.addi %mul3A_159, %add3A_264 : i32
        %get3A_266 = arith.index_cast %add3A_265 : i32 to index
        %get3A_267 = arith.constant 48 : index
        %get3A_268 = tpu.vector_load %arg7[%get3A_266, %get3A_267] {strides = array<i32>} : memref<200x64xf32, #tpu.memory_space<vmem>>, vector<1x16xf32>,
        %get3A_269 = vector.shape_cast %get3A_268 : vector<1x16xf32> to vector<16xf32>
        %add3A_270 = arith.addf %add3A_214, %get3A_269 : vector<16xf32>
        scf.yield %add3A_221, %add3A_228, %add3A_235, %add3A_242, %add3A_249, %add3A_256, %add3A_263, %add3A_270 : vector<16xf32>, vector<16xf32>, vector<16xf32>, vector<16xf32>, vector<16xf32>, vector<16xf32>, vector<16xf32>, vector<16xf32>
      }
      %scan3A_109 = arith.constant 50 : i32
      %add3A_110 = arith.addf %scan3A_108#0, %scan3A_108#4 : vector<16xf32>
      %mul3A_111 = vector.broadcast %scan3A_32 : f32 to vector<16xf32>
      %mul3A_112 = arith.mulf %add3A_110, %mul3A_111 : vector<16xf32>
      %swap3A_113 = arith.index_cast %add3A_95 : i32 to index
      %swap3A_114 = arith.constant 0 : index
      %swap3A_115 = tpu.vector_load %arg8[%swap3A_113, %swap3A_114] {strides = array<i32>} : memref<128x64xf32, #tpu.memory_space<vmem>>, vector<1x16xf32>,
      %swap3A_116 = vector.shape_cast %swap3A_115 : vector<1x16xf32> to vector<16xf32>
      %swap3A_117 = vector.shape_cast %mul3A_112 : vector<16xf32> to vector<1x16xf32>
      tpu.vector_store %arg8[%swap3A_113, %swap3A_114], %swap3A_117 {strides = array<i32>} : memref<128x64xf32, #tpu.memory_space<vmem>>, vector<1x16xf32>,
      %add3A_118 = arith.addf %scan3A_108#1, %scan3A_108#5 : vector<16xf32>
      %mul3A_119 = vector.broadcast %scan3A_32 : f32 to vector<16xf32>
      %mul3A_120 = arith.mulf %add3A_118, %mul3A_119 : vector<16xf32>
      %swap3A_121 = arith.index_cast %add3A_95 : i32 to index
      %swap3A_122 = arith.constant 16 : index
      %swap3A_123 = tpu.vector_load %arg8[%swap3A_121, %swap3A_122] {strides = array<i32>} : memref<128x64xf32, #tpu.memory_space<vmem>>, vector<1x16xf32>,
      %swap3A_124 = vector.shape_cast %swap3A_123 : vector<1x16xf32> to vector<16xf32>
      %swap3A_125 = vector.shape_cast %mul3A_120 : vector<16xf32> to vector<1x16xf32>
      tpu.vector_store %arg8[%swap3A_121, %swap3A_122], %swap3A_125 {strides = array<i32>} : memref<128x64xf32, #tpu.memory_space<vmem>>, vector<1x16xf32>,
      %add3A_126 = arith.addf %scan3A_108#2, %scan3A_108#6 : vector<16xf32>
      %mul3A_127 = vector.broadcast %scan3A_32 : f32 to vector<16xf32>
      %mul3A_128 = arith.mulf %add3A_126, %mul3A_127 : vector<16xf32>
      %swap3A_129 = arith.index_cast %add3A_95 : i32 to index
      %swap3A_130 = arith.constant 32 : index
      %swap3A_131 = tpu.vector_load %arg8[%swap3A_129, %swap3A_130] {strides = array<i32>} : memref<128x64xf32, #tpu.memory_space<vmem>>, vector<1x16xf32>,
      %swap3A_132 = vector.shape_cast %swap3A_131 : vector<1x16xf32> to vector<16xf32>
      %swap3A_133 = vector.shape_cast %mul3A_128 : vector<16xf32> to vector<1x16xf32>
      tpu.vector_store %arg8[%swap3A_129, %swap3A_130], %swap3A_133 {strides = array<i32>} : memref<128x64xf32, #tpu.memory_space<vmem>>, vector<1x16xf32>,
      %add3A_134 = arith.addf %scan3A_108#3, %scan3A_108#7 : vector<16xf32>
      %mul3A_135 = vector.broadcast %scan3A_32 : f32 to vector<16xf32>
      %mul3A_136 = arith.mulf %add3A_134, %mul3A_135 : vector<16xf32>
      %swap3A_137 = arith.index_cast %add3A_95 : i32 to index
      %swap3A_138 = arith.constant 48 : index
      %swap3A_139 = tpu.vector_load %arg8[%swap3A_137, %swap3A_138] {strides = array<i32>} : memref<128x64xf32, #tpu.memory_space<vmem>>, vector<1x16xf32>,
      %swap3A_140 = vector.shape_cast %swap3A_139 : vector<1x16xf32> to vector<16xf32>
      %swap3A_141 = vector.shape_cast %mul3A_136 : vector<16xf32> to vector<1x16xf32>
      tpu.vector_store %arg8[%swap3A_137, %swap3A_138], %swap3A_141 {strides = array<i32>} : memref<128x64xf32, #tpu.memory_space<vmem>>, vector<1x16xf32>,
      %add3A_142 = arith.constant 2 : i32
      %add3A_143 = arith.addi %add3A_95, %add3A_142 : i32
      %lt3A_144 = arith.constant 128 : i32
      %lt3A_145 = arith.cmpi slt, %add3A_143, %lt3A_144 : i32
      %convert_element_type3A_146 = arith.extui %lt3A_145 : i1 to i32
      %cond3A_147 = arith.constant 0 : i32
      %cond3A_148 = arith.cmpi ne, %convert_element_type3A_146, %cond3A_147 : i32
      scf.if %cond3A_148 {
        %add3A_149 = arith.constant 2 : i32
        %add3A_150 = arith.addi %add3A_95, %add3A_149 : i32
        %mul3A_151 = arith.constant 200 : i32
        %mul3A_152 = arith.muli %add3A_150, %mul3A_151 : i32
        %add3A_153 = arith.constant 0 : i32
        %add3A_154 = arith.addi %mul3A_152, %add3A_153 : i32
        %dma_start3A_155 = arith.constant 0 : i32
        %dma_start3A_156 = arith.constant 0 : i32
        %dma_start3A_157 = tpu.memref_slice %arg7[%dma_start3A_155, %dma_start3A_156] : memref<200x64xf32, #tpu.memory_space<vmem>> -> memref<128x64xf32, #tpu.memory_space<vmem>>
        %dma_start3A_158 = tpu.memref_slice %arg5[%add3A_154] : memref<25600xi32, #tpu.memory_space<vmem>> -> memref<128xi32, #tpu.memory_space<vmem>>
        %dma_start3A_159 = arith.constant 0 : i32
        %dma_start3A_160 = arith.constant 0 : i32
        %dma_start3A_161 = tpu.memref_slice %arg3[%dma_start3A_159, %dma_start3A_160] : memref<1000000x64xf32, #tpu.memory_space<hbm>> -> memref<1000000x64xf32, #tpu.memory_space<hbm>>
        tpu.enqueue_indirect_dma source(%dma_start3A_161 : memref<1000000x64xf32, #tpu.memory_space<hbm>>) target(%dma_start3A_157 : memref<128x64xf32, #tpu.memory_space<vmem>>) offsets(%dma_start3A_158 : memref<128xi32, #tpu.memory_space<vmem>>) semaphore(%arg10 : memref<!tpu.dma_semaphore, #tpu.memory_space<semaphore_mem>>)
        %add3A_162 = arith.constant 128 : i32
        %add3A_163 = arith.addi %mul3A_152, %add3A_162 : i32
        %dma_start3A_164 = arith.constant 128 : i32
        %dma_start3A_165 = arith.constant 0 : i32
        %dma_start3A_166 = tpu.memref_slice %arg7[%dma_start3A_164, %dma_start3A_165] : memref<200x64xf32, #tpu.memory_space<vmem>> -> memref<72x64xf32, #tpu.memory_space<vmem>>
        %dma_start3A_167 = tpu.memref_slice %arg5[%add3A_163] : memref<25600xi32, #tpu.memory_space<vmem>> -> memref<72xi32, #tpu.memory_space<vmem>>
        %dma_start3A_168 = arith.constant 0 : i32
        %dma_start3A_169 = arith.constant 0 : i32
        %dma_start3A_170 = tpu.memref_slice %arg3[%dma_start3A_168, %dma_start3A_169] : memref<1000000x64xf32, #tpu.memory_space<hbm>> -> memref<1000000x64xf32, #tpu.memory_space<hbm>>
        tpu.enqueue_indirect_dma source(%dma_start3A_170 : memref<1000000x64xf32, #tpu.memory_space<hbm>>) target(%dma_start3A_166 : memref<72x64xf32, #tpu.memory_space<vmem>>) offsets(%dma_start3A_167 : memref<72xi32, #tpu.memory_space<vmem>>) semaphore(%arg10 : memref<!tpu.dma_semaphore, #tpu.memory_space<semaphore_mem>>)
      } else {
      }
    }
    %scan3A_37 = arith.constant 64 : i32
    %mul3A_38 = arith.constant 128 : i32
    %mul3A_39 = arith.muli %add3A, %mul3A_38 : i32
    "tpu.region"() ({
      %run_scoped3A = tpu.sem_alloc : memref<!tpu.dma_semaphore, #tpu.memory_space<semaphore_mem>>
      %dma_start3A_40 = arith.constant 0 : i32
      %dma_start3A_41 = tpu.memref_slice %arg4[%mul3A_39, %dma_start3A_40] : memref<4096x64xf32, #tpu.memory_space<hbm>> -> memref<128x64xf32, #tpu.memory_space<hbm>>
      %dma_start3A_42 = arith.constant 0 : i32
      %dma_start3A_43 = tpu.memref_slice %arg4[%mul3A_39, %dma_start3A_42] : memref<4096x64xf32, #tpu.memory_space<hbm>> -> memref<128x64xf32, #tpu.memory_space<hbm>>
      tpu.enqueue_dma source(%arg8 : memref<128x64xf32, #tpu.memory_space<vmem>>) target(%dma_start3A_43 : memref<128x64xf32, #tpu.memory_space<hbm>>) target_semaphore(%run_scoped3A : memref<!tpu.dma_semaphore, #tpu.memory_space<semaphore_mem>>)
      %dma_wait3A = arith.constant 0 : i32
      %dma_wait3A_44 = tpu.memref_slice %arg4[%mul3A_39, %dma_wait3A] : memref<4096x64xf32, #tpu.memory_space<hbm>> -> memref<128x64xf32, #tpu.memory_space<hbm>>
      %dma_wait3A_45 = arith.constant 0 : i32
      %dma_wait3A_46 = tpu.memref_slice %arg4[%mul3A_39, %dma_wait3A_45] : memref<4096x64xf32, #tpu.memory_space<hbm>> -> memref<128x64xf32, #tpu.memory_space<hbm>>
      tpu.wait_dma2 semaphore(%run_scoped3A : memref<!tpu.dma_semaphore, #tpu.memory_space<semaphore_mem>>) src(%arg8 : memref<128x64xf32, #tpu.memory_space<vmem>>) dst(%dma_wait3A_46 : memref<128x64xf32, #tpu.memory_space<hbm>>)
      tpu.yield
    }) : () -> ()
    return
  }
}

module attributes {stable_mosaic.version = 14 : i64} {
  func.func @body(%arg0: i32, %arg1: memref<512x64xf32, #tpu.memory_space<vmem>>, %arg2: memref<64x512xf32, #tpu.memory_space<vmem>>, %arg3: memref<1x512xf32, #tpu.memory_space<vmem>>, %arg4: memref<512x512xf32, #tpu.memory_space<vmem>>) attributes {dimension_semantics = [#tpu.dimension_semantics<arbitrary>], iteration_bounds = array<i64: 8>, scalar_prefetch = 0 : i64, scratch_operands = 0 : i64, tpu.core_type = #tpu.core_type<tc>, window_params = [{transform_indices = @transform_0, window_bounds = array<i64: 512, 64>}, {pipeline_mode = #tpu.pipeline_mode<synchronous>, transform_indices = @transform_1, window_bounds = array<i64: 64, 512>}, {pipeline_mode = #tpu.pipeline_mode<synchronous>, transform_indices = @transform_2, window_bounds = array<i64: 1, 512>}, {transform_indices = @transform_3, window_bounds = array<i64: 512, 512>}]} {
    %get3A = arith.constant 0 : index
    %get3A_0 = arith.constant 0 : index
    %get3A_1 = vector.load %arg1[%get3A, %get3A_0] : memref<512x64xf32, #tpu.memory_space<vmem>>, vector<512x64xf32>
    %get3A_2 = arith.constant 0 : index
    %get3A_3 = arith.constant 0 : index
    %get3A_4 = vector.load %arg2[%get3A_2, %get3A_3] : memref<64x512xf32, #tpu.memory_space<vmem>>, vector<64x512xf32>
    %dot_general3A = arith.constant dense<0.000000e+00> : vector<512x512xf32>
    %dot_general3A_5 = tpu.matmul %get3A_1, %get3A_4, %dot_general3A {dimension_numbers = #tpu.dot_dimension_numbers<[1], [0], [0], [1], [0, 0, 1, 1], [], []>, transpose_lhs_hint = false} : vector<512x64xf32>, vector<64x512xf32>, vector<512x512xf32> -> vector<512x512xf32>
    %get3A_6 = arith.constant 0 : index
    %get3A_7 = arith.constant 0 : index
    %get3A_8 = vector.load %arg3[%get3A_6, %get3A_7] : memref<1x512xf32, #tpu.memory_space<vmem>>, vector<1x512xf32>
    %add3A = vector.broadcast %get3A_8 : vector<1x512xf32> to vector<512x512xf32>
    %add3A_9 = arith.addf %dot_general3A_5, %add3A : vector<512x512xf32>
    %swap3A = arith.constant 0 : index
    %swap3A_10 = arith.constant 0 : index
    %swap3A_11 = vector.load %arg4[%swap3A, %swap3A_10] : memref<512x512xf32, #tpu.memory_space<vmem>>, vector<512x512xf32>
    tpu.vector_store %arg4[%swap3A, %swap3A_10], %add3A_9 {strides = array<i32>} : memref<512x512xf32, #tpu.memory_space<vmem>>, vector<512x512xf32>,
    return
  }
  func.func @transform_0(%arg0: i32) -> (i32, i32) {
    %c0_i32 = arith.constant 0 : i32
    %c0_i32_0 = arith.constant 0 : i32
    return %arg0, %c0_i32 : i32, i32
  }
  func.func @transform_1(%arg0: i32) -> (i32, i32) {
    %c0_i32 = arith.constant 0 : i32
    %c0_i32_0 = arith.constant 0 : i32
    %c0_i32_1 = arith.constant 0 : i32
    return %c0_i32, %c0_i32_0 : i32, i32
  }
  func.func @transform_2(%arg0: i32) -> (i32, i32) {
    %c0_i32 = arith.constant 0 : i32
    %c0_i32_0 = arith.constant 0 : i32
    %c0_i32_1 = arith.constant 0 : i32
    return %c0_i32, %c0_i32_0 : i32, i32
  }
  func.func @transform_3(%arg0: i32) -> (i32, i32) {
    %c0_i32 = arith.constant 0 : i32
    %c0_i32_0 = arith.constant 0 : i32
    return %arg0, %c0_i32 : i32, i32
  }
}

</mosaic_0001>

<sc_bundles>
// kernel: kernel.4.cloned.1.call-start
scs
__scs_entry_jumppad:
0x0: {  	(pc) =	sbr.rel $0x88, $3  }
0x1: {  	(tag) =	ssettag $0x0;
	lr =	simm.s32 $0x1  }
0x2: {  	[smem:$0x3F9D] =	sst lr;
	_ =	strace $0xD0000000  }
0x3: {  	_ = 	snop  }
0x4: {  	_ = 	snop  }
0x5: {  	_ = 	snop  }
0x6: {  	_ = 	snop  }
0x7: {  	_ = 	snop  }
__scs_overlays_trampoline_lowered:
0x8: {  	[smem:$0x3FAC] =	sst s0  }
0x9: {  	[smem:$0x3FAD] =	sst s1  }
0xa: {  	[smem:$0x3FAE] =	sst s2  }
0xb: {  	[smem:$0x3FAF] =	sst s3  }
0xc: {  	[smem:$0x3FB0] =	sst s4  }
0xd: {  	[smem:$0x3FB1] =	sst s5  }
0xe: {  	[smem:$0x3FB2] =	sst s6  }
0xf: {  	[smem:$0x3FB3] =	sst s7  }
0x10: {  	[smem:$0x3FB4] =	sst s8  }
0x11: {  	[smem:$0x3FB5] =	sst s9;
	s0 =	simm.s32 @!p0 $0x0  }
0x12: {  	s1 =	sld [smem:$0x3F9B];
	s0 =	simm.s32 @p0 $0x1  }
0x13: {  	[smem:$0x3FB6] =	sst s0;
	s0 =	simm.s32 @!p1 $0x0  }
0x14: {  	s2 =	sld [smem:$0x3F9A];
	s0 =	simm.s32 @p1 $0x1  }
0x15: {  	[smem:$0x3FB7] =	sst s0;
	s0 =	simm.s32 @!p2 $0x0  }
0x16: {  	s3 =	sld [smem:$0x3FDB];
	s0 =	simm.s32 @p2 $0x1  }
0x17: {  	s4 =	simm.s32 $0x1BF5;
	[smem:$0x3FB9] =	sst s0  }
0x18: {  	s0 =	sld [smem:$0x3F9C];
	_ =	swait.ge [sflag:s4], $0x0  }
0x19: {  	s7 =	sld [smem:$0x3F9D]  }
0x1a: {  	s8 =	sadd.s32 $0xFFFFE003, lr  }
0x1b: {  	s9 =	sadd.s32 $0xFFFFFEF7, lr;
	s5 =	simm.s32 $0xFFFFFFFF;
	p2 =	slt.u32 s8, $0xFFFFF086  }
0x1c: {  	p1 =	slt.u32 s9, $0xF7A;
	s5 =	simm.s32 @!p2 $0x0  }
0x1d: {  	s5 =	simm.s32 @p1 $0x1;
	p0 =	seq.s32 s7, s2  }
0x1e: {  	s7 =	smul.u32 @!p0 $0xF7A, s2;
	p2 =	seq.s32 @!p0 s5, $0x0  }
0x1f: {  	s9 =	smul.u32 $0xF7A, s1;
	s8 =	simm.s32 @!p0 $0x1BF5;
	p2 =	por !p2, p0  }
0x20: {  	[sflag:s8] =	ssyncset.s32 @!p0 $0xFFFFF086;
	s6 =	sadd.s32 @!p0 s3, s7;
	s7 =	simm.s32 @!p0 $0x108  }
0x21: {  	s3 =	sadd.s32 s3, s9;
	s6 =	sadd.s32 @!p0 $0x88, s6;
	s7 =	simm.s32 @p2 $0x1082  }
0x22: {  	[simem:s7], [sflag:s8] =	dma.local @!p0 [hbm:s6], $0xF7A  }
0x23: {  	s9 =	sor.u32 $0xD0000000, s2;
	s6 =	simm.s32 $0x108;
	_ =	swait.ge @!p0 [sflag:s8], $0x0  }
0x24: {  	s3 =	sadd.s32 $0x88, s3;
	s6 =	simm.s32 @!p1 $0x1082;
	[sflag:s4] =	ssyncset.s32 $0xFFFFF086  }
0x25: {  	[simem:s6], [sflag:s4] =	dma.local [hbm:s3], $0xF7A  }
0x26: {  	[smem:$0x3F9D] =	sst s1;
	(tag) =	ssettag s2;
	_ =	strace s9  }
0x27: {  	s1 =	sld [smem:$0x3FAD]  }
0x28: {  	s2 =	sld [smem:$0x3FAE]  }
0x29: {  	s4 =	sld [smem:$0x3FB0]  }
0x2a: {  	p0 =	seq.s32 s5, $0x0;
	s5 =	sld [smem:$0x3FB1]  }
0x2b: {  	s6 =	sld [smem:$0x3FB2]  }
0x2c: {  	s7 =	sld [smem:$0x3FB3]  }
0x2d: {  	s3 =	simm.s32 $0x108;
	s8 =	sld [smem:$0x3FB4]  }
0x2e: {  	s3 =	simm.s32 @!p0 $0x1082;
	s9 =	sld [smem:$0x3FB5]  }
0x2f: {  	lr =	sadd.s32 s0, s3;
	s0 =	sld [smem:$0x3FAC]  }
0x30: {  	s3 =	sld [smem:$0x3FAF]  }
0x31: {  	[smem:$0x3FB8] =	sst s10  }
0x32: {  	s10 =	sld [smem:$0x3FB6];
	_ =	sdelay $0x3  }
0x33: {  	p0 =	seq.s32 s10, $0x1;
	s10 =	sld [smem:$0x3FB8];
	_ =	sdelay $0x3  }
0x34: {  	[smem:$0x3FB8] =	sst s10  }
0x35: {  	s10 =	sld [smem:$0x3FB7];
	_ =	sdelay $0x3  }
0x36: {  	p1 =	seq.s32 s10, $0x1;
	s10 =	sld [smem:$0x3FB8];
	_ =	sdelay $0x3  }
0x37: {  	[smem:$0x3FB8] =	sst s10  }
0x38: {  	s10 =	sld [smem:$0x3FB9]  }
0x39: {  	_ = 	snop;
	(pc) =	sbr.ind lr, $3  }
0x3a: {  	_ = 	snop  }
0x3b: {  	_ = 	snop  }
0x3c: {  	p2 =	seq.s32 s10, $0x1;
	s10 =	sld [smem:$0x3FB8]  }
0x3d: {  	_ =	shalt  }
0x3e: {  	_ =	shalt  }
0x3f: {  	_ =	shalt  }
0x40: {  	_ =	shalt  }
0x41: {  	_ =	shalt  }
0x42: {  	_ =	shalt  }
0x43: {  	_ =	shalt  }
0x44: {  	_ =	shalt  }
0x45: {  	_ =	shalt  }
0x46: {  	_ =	shalt  }
0x47: {  	_ =	shalt  }
0x48: {  	_ =	shalt  }
0x49: {  	_ =	shalt  }
0x4a: {  	_ =	shalt  }
0x4b: {  	_ =	shalt  }
0x4c: {  	_ =	shalt  }
0x4d: {  	_ =	shalt  }
0x4e: {  	_ =	shalt  }
0x4f: {  	_ =	shalt  }
0x50: {  	_ =	shalt  }
0x51: {  	_ =	shalt  }
0x52: {  	_ =	shalt  }
0x53: {  	_ =	shalt  }
0x54: {  	_ =	shalt  }
0x55: {  	_ =	shalt  }
0x56: {  	_ =	shalt  }
0x57: {  	_ =	shalt  }
0x58: {  	_ =	shalt  }
0x59: {  	_ =	shalt  }
0x5a: {  	_ =	shalt  }
0x5b: {  	_ =	shalt  }
0x5c: {  	_ =	shalt  }
0x5d: {  	_ =	shalt  }
0x5e: {  	_ =	shalt  }
0x5f: {  	_ =	shalt  }
0x60: {  	_ =	shalt  }
0x61: {  	_ =	shalt  }
0x62: {  	_ =	shalt  }
0x63: {  	_ =	shalt  }
0x64: {  	_ =	shalt  }
0x65: {  	_ =	shalt  }
0x66: {  	_ =	shalt  }
0x67: {  	_ =	shalt  }
0x68: {  	_ =	shalt  }
0x69: {  	_ =	shalt  }
0x6a: {  	_ =	shalt  }
0x6b: {  	_ =	shalt  }
0x6c: {  	_ =	shalt  }
0x6d: {  	_ =	shalt  }
0x6e: {  	_ =	shalt  }
0x6f: {  	_ =	shalt  }
0x70: {  	_ =	shalt  }
0x71: {  	_ =	shalt  }
0x72: {  	_ =	shalt  }
0x73: {  	_ =	shalt  }
0x74: {  	_ =	shalt  }
0x75: {  	_ =	shalt  }
0x76: {  	_ =	shalt  }
0x77: {  	_ =	shalt  }
0x78: {  	_ =	shalt  }
0x79: {  	_ =	shalt  }
0x7a: {  	_ =	shalt  }
0x7b: {  	_ =	shalt  }
0x7c: {  	_ =	shalt  }
0x7d: {  	_ =	shalt  }
0x7e: {  	_ =	shalt  }
0x7f: {  	_ =	shalt  }
0x80: {  	_ =	shalt  }
0x81: {  	_ =	shalt  }
0x82: {  	_ =	shalt  }
0x83: {  	_ =	shalt  }
0x84: {  	_ =	shalt  }
0x85: {  	_ =	shalt  }
0x86: {  	_ =	shalt  }
0x87: {  	_ =	shalt  }
.Lfunc_end0:
.L_simem_size_0:
called_computation_lowered:
.L_overlay_start_0:
0x88: {  	s2 =	sld [smem:$0x3FD9]  }
0x89: {  	s3 =	sld [smem:$0x3FFE];
	_ =	sdelay $0x1  }
0x8a: {  	s1 =	srdreg.scid  }
0x8b: {  	s0 =	sand.u32 $0x1, s1  }
0x8c: {  	s17 =	sshll.u32 s0, $0xA;
	s2 =	sadd.s32 s3, s2  }
0x8d: {  	s2 =	sadd.s32 s2, s17  }
0x8e: {  	[smem:$0x3FC4] =	sst s2  }
0x8f: {  	_ = 	snop  }
0x90: {  	s2 =	sld [smem:$0x3FD0];
	(tm) =	ssettm $0x1  }
0x91: {  	s18 =	sld [smem:$0x3FFB];
	_ =	sdelay $0x3  }
0x92: {  	_ =	strace s18  }
0x93: {  	s3 =	sld [smem:$0x3FFC];
	_ =	sdelay $0x3  }
0x94: {  	_ =	strace s3  }
0x95: {  	s3 =	sld [smem:$0x3FFD];
	_ =	sdelay $0x3  }
0x96: {  	_ =	strace s3  }
0x97: {  	_ =	strace $0x8FFFFFFF  }
0x98: {  	s19 =	sld [smem:$0x3FDB];
	_ =	sdelay $0x1  }
0x99: {  	s4 =	simm.s32 $_scs_section_size  }
0x9a: {  	s5 =	simm.s32 $_size__tile_overlayer_lowered;
	s6 =	simm.s32 $_tile_overlayer_lowered  }
0x9b: {  	s22 =	simm.s32 $0x1BFF;
	s21 =	sshll.u32 s6, $0x1;
	s3 =	sadd.s32 s4, s19  }
0x9c: {  	s7 =	simm.s32 $0x0;
	s20 =	sshll.u32 s5, $0x1;
	s5 =	sadd.s32 s21, s3  }
0x9d: {  	[timem:s7], [sflag:s22] =	dma.local [hbm:s5], s20  }
0x9e: {  	_ =	swait.ge [sflag:s22], s20  }
0x9f: {  	s4 =	ssub.s32 $0x0, s20;
	[sflag:s22] =	ssyncset.done $0x0  }
0xa0: {  	[sflag:s22] =	ssyncadd.s32 s4;
	_ =	sdelay $0x1  }
0xa1: {  	s23 =	simm.s32 $0x1B8B  }
0xa2: {  	_ =	swait.ge [sflag:s23], $0x1  }
0xa3: {  	[sflag:s23] =	ssyncset.done $0x0  }
0xa4: {  	s25 =	simm.s32 $0x1B8E;
	s24 =	sld [smem:$0x3FFE];
	[sflag:s23] =	ssyncadd.s32 $0xFFFFFFFF  }
0xa5: {  	s26 =	simm.s32 $execute0_lowered;
	[smem:$0x3FD2] =	sst s25  }
0xa6: {  	s5 =	sshll.u32 s26, $0x1;
	_ =	strace $0x80000046;
	[dreg:$0x1] =	wrdreg $0xFFFFFFFF  }
0xa7: {  	s28 =	simm.s32 $_size_execute0_lowered;
	s3 =	sadd.s32 s3, s5;
	[dreg:$0x0] =	wrdreg $0x0  }
0xa8: {  	s5 =	sshll.u32 s28, $0x1;
	[dreg:$0x2] =	wrdreg s3  }
0xa9: {  	[dreg:$0x3] =	wrdreg s5  }
0xaa: {  	[dreg:$0x4] =	wrdreg $0xC0  }
0xab: {  	_ =	task [dreg:s7], $0x5FFFF  }
0xac: {  	[dreg:$0x1] =	wrdreg $0xFFFFFFFF  }
0xad: {  	[dreg:$0x0] =	wrdreg $0x60  }
0xae: {  	[dreg:$0x2] =	wrdreg s2  }
0xaf: {  	[dreg:$0x3] =	wrdreg s24  }
0xb0: {  	[dreg:$0x4] =	wrdreg $0x9  }
0xb1: {  	_ =	task.clear_ibuf [dreg:s7], $0x5FFFF;
	_ =	strace $0x90000046  }
0xb2: {  	s29 =	simm.s32 $0x9;
	_ =	strace $0x80000048  }
0xb3: {  	_ =	swait.ge [sflag:s29], $0x1  }
0xb4: {  	[sflag:s29] =	ssyncadd.s32 $0xFFFFFFFF  }
0xb5: {  	_ =	strace $0x90000048  }
0xb6: {  	_ =	sfence  }
0xb7: {  	s30 =	sld [smem:$0x0];
	_ =	sdelay $0x2  }
0xb8: {  	s31 =	sshll.u32 s1, $0xD;
	s1 =	sshrl.u32 s1, $0x2  }
0xb9: {  	s3 =	sand.u32 $0x4000, s31;
	s1 =	sadd.s32 s1, s30  }
0xba: {  	s0 =	sor.u32 s3, s0;
	s1 =	sshll.u32 s1, $0x11  }
0xbb: {  	s0 =	sor.u32 s1, s0  }
0xbc: {  	s0 =	sadd.s32 $0x8F2B, s0  }
0xbd: {  	[sflag:s0] =	ssyncadd.remote.s32 $0x1  }
0xbe: {  	_ =	sfence.sel $0xFFFF  }
0xbf: {  	[dreg:$0x0] =	wrdreg $0xFFFFFFFF;
	(pc) =	sbr.abs _section_cstart, $3  }
0xc0: {  	[dreg:$0x1] =	wrdreg $0xFFFFFFFF  }
0xc1: {  	_ =	task.clear_ibuf [dreg:s7], $0x2FFFF;
	_ =	strace $0x9FFFFFFF  }
0xc2: {  	(tm) =	ssettm $0x7FFFFFFF  }
0xc3: {  	_ =	shalt  }
tec
execute0_lowered:
.L_overlay_start_1:
0x0: {  	(tag) =	ssettag $0x1  }
0x1: {  	s4 =	rddreg [dreg:$0x0]  }
0x2: {  	s5 =	rddreg [dreg:$0x1]  }
0x3: {  	s0 =	rddreg [dreg:$0x2]  }
0x4: {  	s3 =	srdreg.scid;
	s1 =	stileid.u32  }
0x5: {  	s2 =	simm.s32 $0x0;
	s10 =	simm.s32 $0x48;
	s11 =	simm.s32 $0x8400  }
0x6: {  	s12 =	simm.s32 $0xC8;
	s13 =	simm.s32 $0x9600;
	s14 =	simm.s32 $0x148  }
0x7: {  	s15 =	simm.s32 $0xB600;
	s16 =	simm.s32 $0x1;
	s17 =	simm.s32 $0x2  }
0x8: {  	s18 =	simm.s32 $0xC800;
	s3 =	sand.u32 $0x1, s3;
	s6 =	sshll.u32 s1, $0x1  }
0x9: {  	s19 =	simm.s32 $0x0;
	[smem:$0x7FF] =	sst s2;
	s6 =	sor.u32 s3, s6  }
.Ltmp0:
0xa: {  	_ =	strace $0x80000047;
	s7 =	ssub.s32 $0x2, s3;
	(pc) =	sbr.rel .LBB2_1-.Ltmp0, $4  }
0xb: {  	s8 =	smul.u32 $0xC80, s6;
	s6 =	sshll.u32 s6, $0xA;
	s9 =	sshrl.u32 s7, $0x1  }
0xc: {  	s3 =	sadd.s32 $0xF42E00, s5;
	s5 =	sadd.s32 s6, s5;
	s31 =	ssub.s32 s7, s9  }
0xd: {  	s7 =	simm.s32 $0x3;
	s9 =	simm.s32 $0x6400;
	s4 =	sadd.s32 s4, s8  }
0xe: {  	s5 =	sadd.s32 $0xA00, s5;
	s6 =	smax.u32 s31, $0x1;
	s8 =	simm.s32 $0x80  }
.LBB2_8:
0xf: {  	s19 =	sadd.s32 $0x1, s19  }
0x10: {  	p0 =	sne.s32 s19, s6  }
.Ltmp1:
0x11: {  	_ = 	snop;
	(pc) =	sbr.rel @!p0 .LBB2_9-.Ltmp1, $4  }
0x12: {  	[hbm4b:s5+s2] =	stream.linear.scatter [tilespmem:s18], [sflag:$0x3], $0x2000, $0x38;
	[tilespmem:$0xE800] =	vst v63  }
0x13: {  	_ =	swait.ge [sflag:s7], $0x2000  }
0x14: {  	[sflag:s7] =	ssyncset.done $0x0  }
0x15: {  	[sflag:s7] =	ssyncadd.s32 $0xFFFFE000  }
.LBB2_1:
0x16: {  	[tilespmem:s2], [sflag:$0x3] =	stream.linear.gather [hbm4b:s4+s2], $0x6400, $0x38;
	[tilespmem:$0xE800] =	vst v63  }
0x17: {  	_ =	swait.ge [sflag:s7], $0x6400  }
0x18: {  	[sflag:s7] =	ssyncset.done $0x0  }
0x19: {  	[sflag:s7] =	ssyncadd.s32 $0xFFFF9C00  }
0x1a: {  	[tilespmem:s9], [sflag:$0x1] =	stream.indirect.gather [hbm4b:s3+s8], $0x40, s2, s8, $0xb8;
	[tilespmem:$0xE800] =	vst v63  }
0x1b: {  	_ = 	snop  }
0x1c: {  	[tilespmem:s11], [sflag:$0x1] =	stream.indirect.gather [hbm4b:s3+s10], $0x40, s8, s10, $0xb8;
	[tilespmem:$0xE800] =	vst v63  }
0x1d: {  	_ = 	snop  }
0x1e: {  	[tilespmem:s13], [sflag:$0x2] =	stream.indirect.gather [hbm4b:s3+s8], $0x40, s12, s8, $0xb8;
	[tilespmem:$0xE800] =	vst v63  }
0x1f: {  	s20 =	simm.s32 $0x0  }
0x20: {  	[tilespmem:s15], [sflag:$0x2] =	stream.indirect.gather [hbm4b:s3+s10], $0x40, s14, s10, $0xb8;
	[tilespmem:$0xE800] =	vst v63  }
.LBB2_2:
0x21: {  	_ =	swait.ge [sflag:s16], $0x3200  }
0x22: {  	[sflag:s16] =	ssyncset.done $0x0  }
0x23: {  	s21 =	simm.s32 $0x0;
	[sflag:s16] =	ssyncadd.s32 $0xFFFFCE00  }
0x24: {  	v2 =	vld [tilespmem:s21+$0x6480]  }
0x25: {  	v4 =	vld [tilespmem:s21+$0x6490]  }
0x26: {  	v3 =	vld [tilespmem:s21+$0x64A0]  }
0x27: {  	v5 =	vld [tilespmem:s21+$0x64B0]  }
0x28: {  	v0 =	vld [tilespmem:s21+$0x64C0]  }
0x29: {  	v1 =	vld [tilespmem:s21+$0x64D0]  }
0x2a: {  	v18 =	vld [tilespmem:s21+$0x6400]  }
0x2b: {  	v20 =	vld [tilespmem:s21+$0x6410]  }
0x2c: {  	v17 =	vld [tilespmem:s21+$0x6420]  }
0x2d: {  	v19 =	vld [tilespmem:s21+$0x6430]  }
0x2e: {  	v10 =	vimm.f32 $0.0e+00;
	v11 =	vimm.f32 $0.0e+00;
	v14 =	vld [tilespmem:s21+$0x6440]  }
0x2f: {  	v12 =	vimm.f32 $0.0e+00;
	v13 =	vimm.f32 $0.0e+00;
	v6 =	vimm.f32 $0.0e+00;
	v15 =	vld [tilespmem:s21+$0x6450]  }
0x30: {  	s22 =	simm.s32 $0x400;
	v8 =	vimm.f32 $0.0e+00;
	v9 =	vimm.f32 $0.0e+00;
	v7 =	vimm.f32 $0.0e+00;
	v16 =	vld [tilespmem:s21+$0x6460]  }
.LBB2_3:
0x31: {  	p0 =	sne.s32 s22, $0xC400;
	v10 =	vadd.f32 v18, v10;
	v11 =	vadd.f32 v20, v11;
	v18 =	vld [tilespmem:s21+$0x6470]  }
0x32: {  	v12 =	vadd.f32 v17, v12;
	v13 =	vadd.f32 v19, v13;
	v17 =	vld [tilespmem:s21+$0x64E0]  }
0x33: {  	v10 =	vadd.f32 v2, v10;
	v11 =	vadd.f32 v4, v11;
	v19 =	vld [tilespmem:s21+$0x64F0];
	s21 =	sshra.s32 s22, $0x2  }
0x34: {  	v12 =	vadd.f32 v3, v12;
	v2 =	vld [tilespmem:s21+$0x6480];
	v13 =	vadd.f32 v5, v13  }
0x35: {  	v6 =	vadd.f32 v14, v6;
	v8 =	vadd.f32 v15, v8;
	v4 =	vld [tilespmem:s21+$0x6490]  }
0x36: {  	v9 =	vadd.f32 v16, v9;
	v3 =	vld [tilespmem:s21+$0x64A0];
	v7 =	vadd.f32 v18, v7  }
0x37: {  	v6 =	vadd.f32 v0, v6;
	v8 =	vadd.f32 v1, v8;
	v5 =	vld [tilespmem:s21+$0x64B0]  }
0x38: {  	v9 =	vadd.f32 v17, v9;
	v0 =	vld [tilespmem:s21+$0x64C0];
	v7 =	vadd.f32 v19, v7  }
0x39: {  	v1 =	vld [tilespmem:s21+$0x64D0]  }
0x3a: {  	v18 =	vld [tilespmem:s21+$0x6400]  }
0x3b: {  	v20 =	vld [tilespmem:s21+$0x6410]  }
.Ltmp2:
0x3c: {  	v17 =	vld [tilespmem:s21+$0x6420];
	(pc) =	sbr.rel @p0 .LBB2_3-.Ltmp2, $4  }
0x3d: {  	v19 =	vld [tilespmem:s21+$0x6430]  }
0x3e: {  	v14 =	vld [tilespmem:s21+$0x6440]  }
0x3f: {  	v15 =	vld [tilespmem:s21+$0x6450]  }
0x40: {  	s22 =	sadd.s32 $0x400, s22;
	v16 =	vld [tilespmem:s21+$0x6460]  }
0x41: {  	v10 =	vadd.f32 v18, v10;
	v11 =	vadd.f32 v20, v11  }
0x42: {  	v18 =	vld [tilespmem:s21+$0x6470];
	v12 =	vadd.f32 v17, v12;
	v13 =	vadd.f32 v19, v13  }
0x43: {  	v17 =	vld [tilespmem:s21+$0x64E0];
	v2 =	vadd.f32 v2, v10;
	v4 =	vadd.f32 v4, v11  }
0x44: {  	v10 =	vld [tilespmem:s21+$0x64F0];
	v3 =	vadd.f32 v3, v12;
	v6 =	vadd.f32 v14, v6  }
0x45: {  	v5 =	vadd.f32 v5, v13;
	v8 =	vadd.f32 v15, v8  }
0x46: {  	v9 =	vadd.f32 v16, v9;
	v0 =	vadd.f32 v0, v6  }
0x47: {  	v6 =	vadd.f32 v18, v7;
	v1 =	vadd.f32 v1, v8  }
0x48: {  	v7 =	vadd.f32 v17, v9;
	v0 =	vadd.f32 v0, v2  }
0x49: {  	v2 =	vadd.f32 v10, v6;
	v1 =	vadd.f32 v1, v4  }
0x4a: {  	s31 =	sshll.u32 s20, $0x7;
	v0 =	vmul.f32 $4.999999890e-03, v0;
	v3 =	vadd.f32 v7, v3  }
0x4b: {  	p0 =	seq.s32 s20, $0x3F;
	s21 =	sand.u32 $0x3FFFFF80, s31;
	v1 =	vmul.f32 $4.999999890e-03, v1;
	v2 =	vadd.f32 v2, v5  }
0x4c: {  	s22 =	smul.u32 @!p0 $0x640, s20;
	[tilespmem:s21+$0xC800] =	vst v0;
	v0 =	vmul.f32 $4.999999890e-03, v3  }
0x4d: {  	[tilespmem:s21+$0xC810] =	vst v1;
	v1 =	vmul.f32 $4.999999890e-03, v2  }
0x4e: {  	s22 =	sshra.s32 @!p0 s22, $0x2;
	[tilespmem:s21+$0xC820] =	vst v0  }
0x4f: {  	s24 =	simm.s32 @!p0 $0x80;
	s25 =	simm.s32 @!p0 $0x6400;
	s23 =	sadd.s32 @!p0 $0x190, s22;
	[tilespmem:s21+$0xC830] =	vst v1  }
0x50: {  	[tilespmem:s25], [sflag:$0x1] =	stream.indirect.gather @!p0 [hbm4b:s3+s24], $0x40, s23, s24, $0xb8;
	[tilespmem:$0xE800] =	vst v63  }
0x51: {  	s22 =	sadd.s32 @!p0 $0x210, s22;
	s23 =	simm.s32 @!p0 $0x48;
	s24 =	simm.s32 @!p0 $0x8400  }
0x52: {  	[tilespmem:s24], [sflag:$0x1] =	stream.indirect.gather @!p0 [hbm4b:s3+s23], $0x40, s22, s23, $0xb8;
	[tilespmem:$0xE800] =	vst v63  }
0x53: {  	_ =	swait.ge [sflag:s17], $0x3200  }
0x54: {  	[sflag:s17] =	ssyncset.done $0x0  }
0x55: {  	s22 =	simm.s32 $0x0;
	[sflag:s17] =	ssyncadd.s32 $0xFFFFCE00  }
0x56: {  	v2 =	vld [tilespmem:s22+$0x9680]  }
0x57: {  	v4 =	vld [tilespmem:s22+$0x9690]  }
0x58: {  	v3 =	vld [tilespmem:s22+$0x96A0]  }
0x59: {  	v5 =	vld [tilespmem:s22+$0x96B0]  }
0x5a: {  	v0 =	vld [tilespmem:s22+$0x96C0]  }
0x5b: {  	v1 =	vld [tilespmem:s22+$0x96D0]  }
0x5c: {  	v18 =	vld [tilespmem:s22+$0x9600]  }
0x5d: {  	v20 =	vld [tilespmem:s22+$0x9610]  }
0x5e: {  	v17 =	vld [tilespmem:s22+$0x9620]  }
0x5f: {  	v19 =	vld [tilespmem:s22+$0x9630]  }
0x60: {  	v11 =	vimm.f32 $0.0e+00;
	v12 =	vimm.f32 $0.0e+00;
	v14 =	vld [tilespmem:s22+$0x9640]  }
0x61: {  	v13 =	vimm.f32 $0.0e+00;
	v8 =	vimm.f32 $0.0e+00;
	v9 =	vimm.f32 $0.0e+00;
	v15 =	vld [tilespmem:s22+$0x9650]  }
0x62: {  	v10 =	vimm.f32 $0.0e+00;
	v6 =	vimm.f32 $0.0e+00;
	v7 =	vimm.f32 $0.0e+00;
	s23 =	simm.s32 $0x400;
	v16 =	vld [tilespmem:s22+$0x9660]  }
.LBB2_5:
0x63: {  	p1 =	sne.s32 s23, $0xC400;
	v10 =	vadd.f32 v18, v10;
	v11 =	vadd.f32 v20, v11;
	v18 =	vld [tilespmem:s22+$0x9670]  }
0x64: {  	v12 =	vadd.f32 v17, v12;
	v13 =	vadd.f32 v19, v13;
	v17 =	vld [tilespmem:s22+$0x96E0]  }
0x65: {  	v10 =	vadd.f32 v2, v10;
	v11 =	vadd.f32 v4, v11;
	v19 =	vld [tilespmem:s22+$0x96F0];
	s22 =	sshra.s32 s23, $0x2  }
0x66: {  	v12 =	vadd.f32 v3, v12;
	v2 =	vld [tilespmem:s22+$0x9680];
	v13 =	vadd.f32 v5, v13  }
0x67: {  	v6 =	vadd.f32 v14, v6;
	v8 =	vadd.f32 v15, v8;
	v4 =	vld [tilespmem:s22+$0x9690]  }
0x68: {  	v9 =	vadd.f32 v16, v9;
	v3 =	vld [tilespmem:s22+$0x96A0];
	v7 =	vadd.f32 v18, v7  }
0x69: {  	v6 =	vadd.f32 v0, v6;
	v8 =	vadd.f32 v1, v8;
	v5 =	vld [tilespmem:s22+$0x96B0]  }
0x6a: {  	v9 =	vadd.f32 v17, v9;
	v0 =	vld [tilespmem:s22+$0x96C0];
	v7 =	vadd.f32 v19, v7  }
0x6b: {  	v1 =	vld [tilespmem:s22+$0x96D0]  }
0x6c: {  	v18 =	vld [tilespmem:s22+$0x9600]  }
0x6d: {  	v20 =	vld [tilespmem:s22+$0x9610]  }
.Ltmp3:
0x6e: {  	v17 =	vld [tilespmem:s22+$0x9620];
	(pc) =	sbr.rel @p1 .LBB2_5-.Ltmp3, $4  }
0x6f: {  	v19 =	vld [tilespmem:s22+$0x9630]  }
0x70: {  	v14 =	vld [tilespmem:s22+$0x9640]  }
0x71: {  	v15 =	vld [tilespmem:s22+$0x9650]  }
0x72: {  	s23 =	sadd.s32 $0x400, s23;
	v16 =	vld [tilespmem:s22+$0x9660]  }
0x73: {  	v10 =	vadd.f32 v18, v10;
	v11 =	vadd.f32 v20, v11  }
0x74: {  	v56 =	vld [tilespmem:s22+$0x9670];
	v12 =	vadd.f32 v17, v12;
	v13 =	vadd.f32 v19, v13  }
0x75: {  	v57 =	vld [tilespmem:s22+$0x96E0];
	v2 =	vadd.f32 v2, v10;
	v4 =	vadd.f32 v4, v11  }
0x76: {  	v58 =	vld [tilespmem:s22+$0x96F0];
	v3 =	vadd.f32 v3, v12;
	v6 =	vadd.f32 v14, v6  }
0x77: {  	v5 =	vadd.f32 v5, v13;
	v8 =	vadd.f32 v15, v8  }
0x78: {  	v9 =	vadd.f32 v16, v9;
	v0 =	vadd.f32 v0, v6  }
0x79: {  	v59 =	vadd.f32 v56, v7;
	v1 =	vadd.f32 v1, v8  }
0x7a: {  	v60 =	vadd.f32 v57, v9;
	v0 =	vadd.f32 v0, v2  }
0x7b: {  	v61 =	vadd.f32 v58, v59;
	v1 =	vadd.f32 v1, v4  }
0x7c: {  	v0 =	vmul.f32 $4.999999890e-03, v0;
	v3 =	vadd.f32 v60, v3  }
.Ltmp4:
0x7d: {  	v1 =	vmul.f32 $4.999999890e-03, v1;
	v2 =	vadd.f32 v61, v5;
	(pc) =	sbr.rel @p0 .LBB2_8-.Ltmp4, $4  }
0x7e: {  	[tilespmem:s21+$0xC840] =	vst v0;
	v62 =	vmul.f32 $4.999999890e-03, v3  }
0x7f: {  	[tilespmem:s21+$0xC850] =	vst v1;
	v63 =	vmul.f32 $4.999999890e-03, v2  }
0x80: {  	[tilespmem:s21+$0xC860] =	vst v62  }
0x81: {  	[tilespmem:s21+$0xC870] =	vst v63  }
0x82: {  	s21 =	smul.u32 $0x640, s20;
	_ =	sdelay $0x1  }
.Ltmp5:
0x83: {  	s21 =	sshra.s32 s21, $0x2;
	(pc) =	sbr.rel .LBB2_2-.Ltmp5, $4  }
0x84: {  	s22 =	sadd.s32 $0x258, s21  }
0x85: {  	[tilespmem:s13], [sflag:$0x2] =	stream.indirect.gather [hbm4b:s3+s8], $0x40, s22, s8, $0xb8;
	[tilespmem:$0xE800] =	vst v63  }
0x86: {  	s20 =	sadd.s32 $0x1, s20;
	s21 =	sadd.s32 $0x2D8, s21  }
0x87: {  	[tilespmem:s15], [sflag:$0x2] =	stream.indirect.gather [hbm4b:s3+s10], $0x40, s21, s10, $0xb8;
	[tilespmem:$0xE800] =	vst v63  }
.LBB2_9:
0x88: {  	_ =	sfence.sel $0x180000  }
0x89: {  	[bflag:$0x0] =	sbarrier.arrive $0xFFFF  }
0x8a: {  	p0 =	sne.s32 s1, $0x0;
	_ =	strace $0x90000047  }
0x8b: {  	s0 =	sadd.s32 @!p0 $0x100000, s0;
	[bflag:$0x2] =	sbarrier.arrive $0xFFFF  }
0x8c: {  	[sflag:s0] =	ssyncadd.tile.s32 @!p0 $0x1;
	_ =	shalt  }
.Lfunc_end2:
_tile_overlayer_lowered:
.L_overlay_start_2:
0x8d: {  	(tag) =	ssettag $0x2  }
0x8e: {  	s0 =	rddreg [dreg:$0x0];
	s2 =	stileid.u32  }
0x8f: {  	s1 =	rddreg [dreg:$0x1];
	p0 =	sne.s32 s2, $0x0  }
0x90: {  	s3 =	rddreg [dreg:$0x2];
	[bflag:$0x3] =	sbarrier.arrive $0xFFFF;
	s2 =	simm.s32 @!p0 $0x1C03  }
0x91: {  	[timem:s3], [sflag:s2] =	dma.local @!p0 [hbm:s0], s1  }
0x92: {  	s0 =	simm.s32 @!p0 $0x3  }
0x93: {  	_ =	swait.ge @!p0 [sflag:s0], s1  }
0x94: {  	s1 =	ssub.s32 @!p0 $0x0, s1;
	[sflag:s0] =	ssyncset.done @!p0 $0x0  }
0x95: {  	[sflag:s0] =	ssyncadd.s32 @!p0 s1  }
0x96: {  	[bflag:$0x3] =	sbarrier.arrive $0xFFFF  }
0x97: {  	_ =	shalt  }

</sc_bundles>
